<compile_context>
chip_gen: v7x
topology: tpu7x:2x2x1
jax: 0.10.2.dev20260603
libtpu: 0.0.44.dev20260713+nightly
codegen_flags: <defaults>
</compile_context>

<pallas_src>
import functools

import jax
import jax.numpy as jnp
from jax import lax
from jax.experimental import pallas as pl
from jax.experimental.pallas import tpu as pltpu
from jax.experimental.pallas import tpu_sc as plsc

N = 10000
E = 320000
D = 128
NC = 2
NS = 16
NW = NC * NS
EPW = E // NW
CH = 128
NCHUNK = 80
EP = NW * NCHUNK * CH
SLOW_C = 1
NCH_S = 70
NCH_F = 88
EP2 = (NCH_S + NCH_F) * NS * CH
NP = 10240
RPT = NP // NS


def _mesh():
  return plsc.VectorSubcoreMesh(core_axis_name="c", subcore_axis_name="s",
                                num_cores=NC, num_subcores=NS)


@functools.lru_cache(maxsize=None)
def _make_seg_kernel():
  scratch = (
      pltpu.VMEM((CH,), jnp.int32),
      pltpu.VMEM((CH,), jnp.int32),
      pltpu.VMEM((CH,), jnp.int32),
      pltpu.VMEM((CH,), jnp.int32),
      pltpu.VMEM((CH, D), jnp.float32),
      pltpu.VMEM((CH, D), jnp.float32),
      pltpu.VMEM_SHARED((NP, D), jnp.float32),
      pltpu.SemaphoreType.DMA,
      pltpu.SemaphoreType.DMA,
  )

  def body(feats, src1, dst1, zrow, out, sv0, sv1, dv0, dv1, rows0, rows1,
           acc, g0, g1):
    c = lax.axis_index("c")
    s = lax.axis_index("s")
    rbase = pl.multiple_of(s * RPT, 8)
    pltpu.sync_copy(zrow.at[pl.ds(rbase, RPT)], acc.at[pl.ds(rbase, RPT)])
    plsc.subcore_barrier()

    slow = c == SLOW_C
    nch = jnp.where(slow, NCH_S, NCH_F)
    ebase = jnp.where(slow, s * (NCH_S * CH),
                      NS * (NCH_S * CH) + s * (NCH_F * CH))

    def load_idx(j, sv, dv):
      base = pl.multiple_of(ebase + j * CH, 8)
      pltpu.sync_copy(src1.at[pl.ds(base, CH)], sv)
      pltpu.sync_copy(dst1.at[pl.ds(base, CH)], dv)

    load_idx(0, sv0, dv0)
    pltpu.async_copy(feats.at[sv0], rows0, g0)

    @pl.loop(0, NCH_F, step=2)
    def step(j):
      @pl.when(j < nch)
      def _():
        load_idx(j + 1, sv1, dv1)
        pltpu.make_async_copy(feats.at[sv0], rows0, g0).wait()
        pltpu.async_copy(feats.at[sv1], rows1, g1)
        pltpu.sync_copy(rows0, acc.at[dv0], add=True)

        @pl.when(j + 2 < nch)
        def _():
          load_idx(j + 2, sv0, dv0)

        pltpu.make_async_copy(feats.at[sv1], rows1, g1).wait()

        @pl.when(j + 2 < nch)
        def _():
          pltpu.async_copy(feats.at[sv0], rows0, g0)

        pltpu.sync_copy(rows1, acc.at[dv1], add=True)

    plsc.subcore_barrier()
    pltpu.sync_copy(acc.at[pl.ds(rbase, RPT)], out.at[c, pl.ds(rbase, RPT)])

  return pl.kernel(
      body, out_type=jax.ShapeDtypeStruct((NC, NP, D), jnp.float32),
      mesh=_mesh(), scratch_types=scratch)


@functools.lru_cache(maxsize=None)
def _make_cnt_kernel():
  scratch = (
      pltpu.VMEM((NCHUNK, CH), jnp.int32),
      pltpu.VMEM((CH, D), jnp.float32),
      pltpu.VMEM_SHARED((NP, D), jnp.float32),
  )

  def body(dst3, zrow, out, didx, ones_v, cacc):
    c = lax.axis_index("c")
    s = lax.axis_index("s")
    wid = s * NC + c
    rbase = pl.multiple_of(s * RPT, 8)

    @pl.loop(0, CH)
    def fill_row(i):
      @pl.loop(0, D // 16)
      def fill_lane(k):
        ones_v[i, pl.ds(k * 16, 16)] = jnp.ones((16,), jnp.float32)

    pltpu.sync_copy(zrow.at[pl.ds(rbase, RPT)], cacc.at[pl.ds(rbase, RPT)])
    pltpu.sync_copy(dst3.at[wid], didx)
    plsc.subcore_barrier()

    @pl.loop(0, NCHUNK)
    def chunk(j):
      pltpu.sync_copy(ones_v, cacc.at[didx.at[j]], add=True)

    plsc.subcore_barrier()
    pltpu.sync_copy(cacc.at[pl.ds(rbase, RPT)], out.at[c, pl.ds(rbase, RPT)])

  return pl.kernel(
      body, out_type=jax.ShapeDtypeStruct((NC, NP, D), jnp.float32),
      mesh=_mesh(), scratch_types=scratch)


def _dotT(a, w):
  return lax.dot_general(a, w, (((1,), (1,)), ((), ())),
                         preferred_element_type=jnp.float32)


def _rownorm(o):
  nrm = jnp.maximum(jnp.sqrt(jnp.sum(o * o, axis=1, keepdims=True)), 1e-12)
  return o / nrm


def _leaky(h):
  return jnp.where(h >= 0, h, 0.2 * h)


def _bn(h, g, b):
  m = jnp.mean(h, axis=0, keepdims=True)
  v = jnp.mean((h - m) ** 2, axis=0, keepdims=True)
  return (h - m) / jnp.sqrt(v + 1e-5) * g + b


def _tc1_body(x, wi, bi, g1, b1, o):
  h = _leaky(_dotT(x[...], wi[...]) + bi[...])
  o[...] = _bn(h, g1[...], b1[...])


_tc1 = pl.pallas_call(
    _tc1_body,
    out_shape=jax.ShapeDtypeStruct((N, D), jnp.float32),
)


def _tc2_body(p, cnt, h, wl, bl, wr, o):
  cnt0 = jnp.maximum(cnt[0, :N, 0:1] + cnt[1, :N, 0:1], 1.0)
  agg = (p[0, :N] + p[1, :N]) / cnt0
  out = _dotT(agg, wl[...]) + bl[...] + _dotT(h[...], wr[...])
  o[...] = _leaky(_rownorm(out))


_tc2 = pl.pallas_call(
    _tc2_body,
    out_shape=jax.ShapeDtypeStruct((N, D), jnp.float32),
)


def _tc3_body(p, cnt, x1, wl, bl, wr, xs, ws, bs, g2, b2, o):
  cnt0 = jnp.maximum(cnt[0, :N, 0:1] + cnt[1, :N, 0:1], 1.0)
  agg = (p[0, :N] + p[1, :N]) / cnt0
  x2 = _rownorm(_dotT(agg, wl[...]) + bl[...] + _dotT(x1[...], wr[...]))
  out = x2 + _dotT(xs[...], ws[...]) + bs[...]
  o[...] = _rownorm(_bn(out, g2[...], b2[...]))


_tc3 = pl.pallas_call(
    _tc3_body,
    out_shape=jax.ShapeDtypeStruct((N, D), jnp.float32),
)


def kernel(x, edge_index, Wi, bi, g1, b1, Wl1, bl1, Wr1, Wl2, bl2, Wr2, Ws,
           bs, g2, b2):
  ei = edge_index.astype(jnp.int32)
  srcp = jnp.concatenate([ei[0], jnp.zeros((EP2 - E,), jnp.int32)])
  dstp = jnp.concatenate([ei[1], jnp.full((EP2 - E,), NP - 1, jnp.int32)])
  dst3 = jnp.concatenate([ei[1], jnp.full((EP - E,), NP - 1, jnp.int32)]
                         ).reshape(NW, NCHUNK, CH)
  zrow = jnp.zeros((NP, D), jnp.float32)
  row = lambda v: v.reshape(1, -1)

  h = _tc1(x, Wi, row(bi), row(g1), row(b1))
  cnt = _make_cnt_kernel()(dst3, zrow)
  p1 = _make_seg_kernel()(h, srcp, dstp, zrow)
  x1 = _tc2(p1, cnt, h, Wl1, row(bl1), Wr1)
  p2 = _make_seg_kernel()(x1, srcp, dstp, zrow)
  out = _tc3(p2, cnt, x1, Wl2, row(bl2), Wr2, h, Ws, row(bs), row(g2),
             row(b2))
  return out

# --- scband reference (transcript-rebuilt; emitter-appended) ---
"""Pipeline reference for scband-improved-graph-sage-28802050687002 (READ-ONLY COPY).

The authoritative reference and input builder live on the scoring server;
editing this copy changes nothing except your own understanding.
"""

import jax, jax.numpy as jnp
import numpy as np

N_NODES = 10000
N_EDGES = 320000
D_IN = 128
D_HID = 128
D_OUT = 128


def _leaky(x):
    return jnp.where(x >= 0, x, 0.2 * x)


def _bn(x, g, b, eps=1e-5):
    m = x.mean(axis=0)
    v = x.var(axis=0)
    return (x - m) / jnp.sqrt(v + eps) * g + b


def _sage(x, src, dst, Wl, bl, Wr, n_nodes):
    msgs = x[src]
    agg = jax.ops.segment_sum(msgs, dst, num_segments=n_nodes)
    cnt = jax.ops.segment_sum(jnp.ones((src.shape[0],), x.dtype), dst, num_segments=n_nodes)
    agg = agg / jnp.clip(cnt, 1.0, None)[:, None]
    out = agg @ Wl.T + bl + x @ Wr.T
    nrm = jnp.maximum(jnp.linalg.norm(out, axis=-1, keepdims=True), 1e-12)
    return out / nrm


def setup_inputs(seed: int = 0) -> dict:
    key = jax.random.key(seed)
    ks = [jax.random.fold_in(key, i) for i in range(20)]
    s = lambda fan_in: (2.0 / fan_in) ** 0.5
    inp = {}
    inp['x'] = jax.random.normal(ks[0], (N_NODES, D_IN), dtype=jnp.float32)
    inp['edge_index'] = jax.random.randint(ks[1], (2, N_EDGES), 0, N_NODES, dtype=jnp.int64)
    inp['Wi'] = jax.random.normal(ks[2], (D_HID, D_IN), dtype=jnp.float32) * s(D_IN)
    inp['bi'] = jnp.zeros((D_HID,), jnp.float32)
    inp['g1'] = jnp.ones((D_HID,), jnp.float32)
    inp['b1'] = jnp.zeros((D_HID,), jnp.float32)
    inp['Wl1'] = jax.random.normal(ks[3], (D_HID, D_HID), dtype=jnp.float32) * s(D_HID)
    inp['bl1'] = jnp.zeros((D_HID,), jnp.float32)
    inp['Wr1'] = jax.random.normal(ks[4], (D_HID, D_HID), dtype=jnp.float32) * s(D_HID)
    inp['Wl2'] = jax.random.normal(ks[5], (D_OUT, D_HID), dtype=jnp.float32) * s(D_HID)
    inp['bl2'] = jnp.zeros((D_OUT,), jnp.float32)
    inp['Wr2'] = jax.random.normal(ks[6], (D_OUT, D_HID), dtype=jnp.float32) * s(D_HID)
    inp['Ws'] = jax.random.normal(ks[7], (D_OUT, D_HID), dtype=jnp.float32) * s(D_HID)
    inp['bs'] = jnp.zeros((D_OUT,), jnp.float32)
    inp['g2'] = jnp.ones((D_OUT,), jnp.float32)
    inp['b2'] = jnp.zeros((D_OUT,), jnp.float32)
    return inp


def reference(x, edge_index, Wi, bi, g1, b1, Wl1, bl1, Wr1, Wl2, bl2, Wr2, Ws, bs, g2, b2):
    src = edge_index[0]
    dst = edge_index[1]
    n = x.shape[0]
    h = x @ Wi.T + bi
    h = _leaky(h)
    h = _bn(h, g1, b1)
    x_skip = h
    x1 = _leaky(_sage(h, src, dst, Wl1, bl1, Wr1, n))
    x2 = _sage(x1, src, dst, Wl2, bl2, Wr2, n)
    out = x2 + (x_skip @ Ws.T + bs)
    out = _bn(out, g2, b2)
    nrm = jnp.maximum(jnp.linalg.norm(out, axis=1, keepdims=True), 1e-12)
    return out / nrm

if __name__ == "__main__":
    import jax
    _d = setup_inputs()
    print(jax.jit(kernel)(*tuple(_d.values())))

</pallas_src>

<mosaic_0001>
#map = affine_map<(d0, d1) -> (0, 0)>
#map1 = affine_map<(d0, d1) -> (0)>
#map2 = affine_map<(d0, d1) -> (0, 0, 0)>
module attributes {stable_mosaic.version = 14 : i64} {
  func.func @body(%arg0: i32, %arg1: i32, %arg2: memref<10000x128xf32, #tpu.memory_space<hbm>>, %arg3: memref<323584xi32, #tpu.memory_space<hbm>>, %arg4: memref<323584xi32, #tpu.memory_space<hbm>>, %arg5: memref<10240x128xf32, #tpu.memory_space<hbm>>, %arg6: memref<2x10240x128xf32, #tpu.memory_space<hbm>>, %arg7: memref<128xi32, #tpu.memory_space<vmem>>, %arg8: memref<128xi32, #tpu.memory_space<vmem>>, %arg9: memref<128xi32, #tpu.memory_space<vmem>>, %arg10: memref<128xi32, #tpu.memory_space<vmem>>, %arg11: memref<128x128xf32, #tpu.memory_space<vmem>>, %arg12: memref<128x128xf32, #tpu.memory_space<vmem>>, %arg13: memref<10240x128xf32, #tpu.memory_space<vmem_shared>>, %arg14: memref<!tpu.dma_semaphore, #tpu.memory_space<semaphore_mem>>, %arg15: memref<!tpu.dma_semaphore, #tpu.memory_space<semaphore_mem>>) attributes {dimension_semantics = [#tpu.dimension_semantics<core_parallel>, #tpu.dimension_semantics<subcore_parallel>], iteration_bounds = array<i64: 2, 16>, scalar_prefetch = 0 : i64, scratch_operands = 9 : i64, tpu.core_type = #tpu.core_type<sc_vector_subcore>, window_params = [{transform_indices = #map}, {transform_indices = #map1}, {transform_indices = #map1}, {transform_indices = #map}, {transform_indices = #map2}]} {
    %mul3A = arith.constant 640 : i32
    %mul3A_0 = arith.muli %arg1, %mul3A : i32
    %multiple_of3A = tpu.assume_multiple %mul3A_0, 8 : i32
    "tpu.region"() ({
      %run_scoped3A = tpu.sem_alloc : memref<!tpu.dma_semaphore, #tpu.memory_space<semaphore_mem>>
      %dma_start3A_19 = arith.constant 0 : i32
      %dma_start3A_20 = tpu.memref_slice %arg13[%multiple_of3A, %dma_start3A_19] : memref<10240x128xf32, #tpu.memory_space<vmem_shared>> -> memref<640x128xf32, #tpu.memory_space<vmem_shared>>
      %dma_start3A_21 = arith.constant 0 : i32
      %dma_start3A_22 = tpu.memref_slice %arg5[%multiple_of3A, %dma_start3A_21] : memref<10240x128xf32, #tpu.memory_space<hbm>> -> memref<640x128xf32, #tpu.memory_space<hbm>>
      tpu.enqueue_dma source(%dma_start3A_22 : memref<640x128xf32, #tpu.memory_space<hbm>>) target(%dma_start3A_20 : memref<640x128xf32, #tpu.memory_space<vmem_shared>>) target_semaphore(%run_scoped3A : memref<!tpu.dma_semaphore, #tpu.memory_space<semaphore_mem>>)
      %dma_wait3A = arith.constant 0 : i32
      %dma_wait3A_23 = tpu.memref_slice %arg13[%multiple_of3A, %dma_wait3A] : memref<10240x128xf32, #tpu.memory_space<vmem_shared>> -> memref<640x128xf32, #tpu.memory_space<vmem_shared>>
      %dma_wait3A_24 = arith.constant 0 : i32
      %dma_wait3A_25 = tpu.memref_slice %arg5[%multiple_of3A, %dma_wait3A_24] : memref<10240x128xf32, #tpu.memory_space<hbm>> -> memref<640x128xf32, #tpu.memory_space<hbm>>
      tpu.wait_dma2 semaphore(%run_scoped3A : memref<!tpu.dma_semaphore, #tpu.memory_space<semaphore_mem>>) src(%dma_wait3A_25 : memref<640x128xf32, #tpu.memory_space<hbm>>) dst(%dma_wait3A_23 : memref<640x128xf32, #tpu.memory_space<vmem_shared>>)
      tpu.yield
    }) : () -> ()
    %barrier3A = arith.constant 0 : index
    tpu.barrier barrier_id(%barrier3A)
    %eq3A = arith.constant 1 : i32
    %eq3A_1 = arith.cmpi eq, %arg0, %eq3A : i32
    %jit3A = arith.constant 70 : i32
    %jit3A_2 = arith.constant 88 : i32
    %select_n3A = arith.select %eq3A_1, %jit3A, %jit3A_2 : i32
    %mul3A_3 = arith.constant 8960 : i32
    %mul3A_4 = arith.muli %arg1, %mul3A_3 : i32
    %mul3A_5 = arith.constant 11264 : i32
    %mul3A_6 = arith.muli %arg1, %mul3A_5 : i32
    %add3A = arith.constant 143360 : i32
    %add3A_7 = arith.addi %add3A, %mul3A_6 : i32
    %select_n3A_8 = arith.select %eq3A_1, %mul3A_4, %add3A_7 : i32
    %add3A_9 = arith.constant 0 : i32
    %add3A_10 = arith.addi %select_n3A_8, %add3A_9 : i32
    %multiple_of3A_11 = tpu.assume_multiple %add3A_10, 8 : i32
    "tpu.region"() ({
      %run_scoped3A = tpu.sem_alloc : memref<!tpu.dma_semaphore, #tpu.memory_space<semaphore_mem>>
      %dma_start3A_19 = tpu.memref_slice %arg3[%multiple_of3A_11] : memref<323584xi32, #tpu.memory_space<hbm>> -> memref<128xi32, #tpu.memory_space<hbm>>
      %dma_start3A_20 = tpu.memref_slice %arg3[%multiple_of3A_11] : memref<323584xi32, #tpu.memory_space<hbm>> -> memref<128xi32, #tpu.memory_space<hbm>>
      tpu.enqueue_dma source(%dma_start3A_20 : memref<128xi32, #tpu.memory_space<hbm>>) target(%arg7 : memref<128xi32, #tpu.memory_space<vmem>>) target_semaphore(%run_scoped3A : memref<!tpu.dma_semaphore, #tpu.memory_space<semaphore_mem>>)
      %dma_wait3A = tpu.memref_slice %arg3[%multiple_of3A_11] : memref<323584xi32, #tpu.memory_space<hbm>> -> memref<128xi32, #tpu.memory_space<hbm>>
      %dma_wait3A_21 = tpu.memref_slice %arg3[%multiple_of3A_11] : memref<323584xi32, #tpu.memory_space<hbm>> -> memref<128xi32, #tpu.memory_space<hbm>>
      tpu.wait_dma2 semaphore(%run_scoped3A : memref<!tpu.dma_semaphore, #tpu.memory_space<semaphore_mem>>) src(%dma_wait3A_21 : memref<128xi32, #tpu.memory_space<hbm>>) dst(%arg7 : memref<128xi32, #tpu.memory_space<vmem>>)
      tpu.yield
    }) : () -> ()
    "tpu.region"() ({
      %run_scoped3A = tpu.sem_alloc : memref<!tpu.dma_semaphore, #tpu.memory_space<semaphore_mem>>
      %dma_start3A_19 = tpu.memref_slice %arg4[%multiple_of3A_11] : memref<323584xi32, #tpu.memory_space<hbm>> -> memref<128xi32, #tpu.memory_space<hbm>>
      %dma_start3A_20 = tpu.memref_slice %arg4[%multiple_of3A_11] : memref<323584xi32, #tpu.memory_space<hbm>> -> memref<128xi32, #tpu.memory_space<hbm>>
      tpu.enqueue_dma source(%dma_start3A_20 : memref<128xi32, #tpu.memory_space<hbm>>) target(%arg9 : memref<128xi32, #tpu.memory_space<vmem>>) target_semaphore(%run_scoped3A : memref<!tpu.dma_semaphore, #tpu.memory_space<semaphore_mem>>)
      %dma_wait3A = tpu.memref_slice %arg4[%multiple_of3A_11] : memref<323584xi32, #tpu.memory_space<hbm>> -> memref<128xi32, #tpu.memory_space<hbm>>
      %dma_wait3A_21 = tpu.memref_slice %arg4[%multiple_of3A_11] : memref<323584xi32, #tpu.memory_space<hbm>> -> memref<128xi32, #tpu.memory_space<hbm>>
      tpu.wait_dma2 semaphore(%run_scoped3A : memref<!tpu.dma_semaphore, #tpu.memory_space<semaphore_mem>>) src(%dma_wait3A_21 : memref<128xi32, #tpu.memory_space<hbm>>) dst(%arg9 : memref<128xi32, #tpu.memory_space<vmem>>)
      tpu.yield
    }) : () -> ()
    %dma_start3A = arith.constant 0 : i32
    %dma_start3A_12 = arith.constant 0 : i32
    %dma_start3A_13 = tpu.memref_slice %arg2[%dma_start3A, %dma_start3A_12] : memref<10000x128xf32, #tpu.memory_space<hbm>> -> memref<10000x128xf32, #tpu.memory_space<hbm>>
    tpu.enqueue_indirect_dma source(%dma_start3A_13 : memref<10000x128xf32, #tpu.memory_space<hbm>>) target(%arg11 : memref<128x128xf32, #tpu.memory_space<vmem>>) offsets(%arg7 : memref<128xi32, #tpu.memory_space<vmem>>) semaphore(%arg14 : memref<!tpu.dma_semaphore, #tpu.memory_space<semaphore_mem>>)
    %scan3A = arith.constant 0 : i32
    %scan3A_14 = arith.constant 44 : i32
    %scan3A_15 = arith.addi %scan3A, %scan3A_14 : i32
    %scan3A_16 = arith.constant 1 : i32
    scf.for %scan3A_19 = %scan3A to %scan3A_15 step %scan3A_16  : i32 {
      %mul3A_20 = arith.constant 2 : i32
      %mul3A_21 = arith.muli %scan3A_19, %mul3A_20 : i32
      %add3A_22 = arith.constant 0 : i32
      %add3A_23 = arith.addi %add3A_22, %mul3A_21 : i32
      %lt3A = arith.cmpi slt, %add3A_23, %select_n3A : i32
      %convert_element_type3A = arith.extui %lt3A : i1 to i32
      %cond3A = arith.constant 0 : i32
      %cond3A_24 = arith.cmpi ne, %convert_element_type3A, %cond3A : i32
      scf.if %cond3A_24 {
        %add3A_25 = arith.constant 1 : i32
        %add3A_26 = arith.addi %add3A_23, %add3A_25 : i32
        %mul3A_27 = arith.constant 128 : i32
        %mul3A_28 = arith.muli %add3A_26, %mul3A_27 : i32
        %add3A_29 = arith.addi %select_n3A_8, %mul3A_28 : i32
        %multiple_of3A_30 = tpu.assume_multiple %add3A_29, 8 : i32
        "tpu.region"() ({
          %run_scoped3A = tpu.sem_alloc : memref<!tpu.dma_semaphore, #tpu.memory_space<semaphore_mem>>
          %dma_start3A_51 = tpu.memref_slice %arg3[%multiple_of3A_30] : memref<323584xi32, #tpu.memory_space<hbm>> -> memref<128xi32, #tpu.memory_space<hbm>>
          %dma_start3A_52 = tpu.memref_slice %arg3[%multiple_of3A_30] : memref<323584xi32, #tpu.memory_space<hbm>> -> memref<128xi32, #tpu.memory_space<hbm>>
          tpu.enqueue_dma source(%dma_start3A_52 : memref<128xi32, #tpu.memory_space<hbm>>) target(%arg8 : memref<128xi32, #tpu.memory_space<vmem>>) target_semaphore(%run_scoped3A : memref<!tpu.dma_semaphore, #tpu.memory_space<semaphore_mem>>)
          %dma_wait3A_53 = tpu.memref_slice %arg3[%multiple_of3A_30] : memref<323584xi32, #tpu.memory_space<hbm>> -> memref<128xi32, #tpu.memory_space<hbm>>
          %dma_wait3A_54 = tpu.memref_slice %arg3[%multiple_of3A_30] : memref<323584xi32, #tpu.memory_space<hbm>> -> memref<128xi32, #tpu.memory_space<hbm>>
          tpu.wait_dma2 semaphore(%run_scoped3A : memref<!tpu.dma_semaphore, #tpu.memory_space<semaphore_mem>>) src(%dma_wait3A_54 : memref<128xi32, #tpu.memory_space<hbm>>) dst(%arg8 : memref<128xi32, #tpu.memory_space<vmem>>)
          tpu.yield
        }) : () -> ()
        "tpu.region"() ({
          %run_scoped3A = tpu.sem_alloc : memref<!tpu.dma_semaphore, #tpu.memory_space<semaphore_mem>>
          %dma_start3A_51 = tpu.memref_slice %arg4[%multiple_of3A_30] : memref<323584xi32, #tpu.memory_space<hbm>> -> memref<128xi32, #tpu.memory_space<hbm>>
          %dma_start3A_52 = tpu.memref_slice %arg4[%multiple_of3A_30] : memref<323584xi32, #tpu.memory_space<hbm>> -> memref<128xi32, #tpu.memory_space<hbm>>
          tpu.enqueue_dma source(%dma_start3A_52 : memref<128xi32, #tpu.memory_space<hbm>>) target(%arg10 : memref<128xi32, #tpu.memory_space<vmem>>) target_semaphore(%run_scoped3A : memref<!tpu.dma_semaphore, #tpu.memory_space<semaphore_mem>>)
          %dma_wait3A_53 = tpu.memref_slice %arg4[%multiple_of3A_30] : memref<323584xi32, #tpu.memory_space<hbm>> -> memref<128xi32, #tpu.memory_space<hbm>>
          %dma_wait3A_54 = tpu.memref_slice %arg4[%multiple_of3A_30] : memref<323584xi32, #tpu.memory_space<hbm>> -> memref<128xi32, #tpu.memory_space<hbm>>
          tpu.wait_dma2 semaphore(%run_scoped3A : memref<!tpu.dma_semaphore, #tpu.memory_space<semaphore_mem>>) src(%dma_wait3A_54 : memref<128xi32, #tpu.memory_space<hbm>>) dst(%arg10 : memref<128xi32, #tpu.memory_space<vmem>>)
          tpu.yield
        }) : () -> ()
        %dma_wait3A = arith.constant 0 : i32
        %dma_wait3A_31 = arith.constant 0 : i32
        %dma_wait3A_32 = tpu.memref_slice %arg2[%dma_wait3A, %dma_wait3A_31] : memref<10000x128xf32, #tpu.memory_space<hbm>> -> memref<10000x128xf32, #tpu.memory_space<hbm>>
        tpu.wait_indirect_dma semaphore(%arg14 : memref<!tpu.dma_semaphore, #tpu.memory_space<semaphore_mem>>) src(%dma_wait3A_32 : memref<10000x128xf32, #tpu.memory_space<hbm>>) dst(%arg11 : memref<128x128xf32, #tpu.memory_space<vmem>>)
        %dma_start3A_33 = arith.constant 0 : i32
        %dma_start3A_34 = arith.constant 0 : i32
        %dma_start3A_35 = tpu.memref_slice %arg2[%dma_start3A_33, %dma_start3A_34] : memref<10000x128xf32, #tpu.memory_space<hbm>> -> memref<10000x128xf32, #tpu.memory_space<hbm>>
        tpu.enqueue_indirect_dma source(%dma_start3A_35 : memref<10000x128xf32, #tpu.memory_space<hbm>>) target(%arg12 : memref<128x128xf32, #tpu.memory_space<vmem>>) offsets(%arg8 : memref<128xi32, #tpu.memory_space<vmem>>) semaphore(%arg15 : memref<!tpu.dma_semaphore, #tpu.memory_space<semaphore_mem>>)
        "tpu.region"() ({
          %run_scoped3A = tpu.sem_alloc : memref<!tpu.dma_semaphore, #tpu.memory_space<semaphore_mem>>
          %dma_start3A_51 = arith.constant 0 : i32
          %dma_start3A_52 = arith.constant 0 : i32
          %dma_start3A_53 = tpu.memref_slice %arg13[%dma_start3A_51, %dma_start3A_52] : memref<10240x128xf32, #tpu.memory_space<vmem_shared>> -> memref<10240x128xf32, #tpu.memory_space<vmem_shared>>
          tpu.enqueue_indirect_dma source(%arg11 : memref<128x128xf32, #tpu.memory_space<vmem>>) target(%dma_start3A_53 : memref<10240x128xf32, #tpu.memory_space<vmem_shared>>) offsets(%arg9 : memref<128xi32, #tpu.memory_space<vmem>>) semaphore(%run_scoped3A : memref<!tpu.dma_semaphore, #tpu.memory_space<semaphore_mem>>) {add = true}
          %dma_wait3A_54 = arith.constant 0 : i32
          %dma_wait3A_55 = arith.constant 0 : i32
          %dma_wait3A_56 = tpu.memref_slice %arg13[%dma_wait3A_54, %dma_wait3A_55] : memref<10240x128xf32, #tpu.memory_space<vmem_shared>> -> memref<10240x128xf32, #tpu.memory_space<vmem_shared>>
          tpu.wait_indirect_dma semaphore(%run_scoped3A : memref<!tpu.dma_semaphore, #tpu.memory_space<semaphore_mem>>) src(%arg11 : memref<128x128xf32, #tpu.memory_space<vmem>>) dst(%dma_wait3A_56 : memref<10240x128xf32, #tpu.memory_space<vmem_shared>>)
          tpu.yield
        }) : () -> ()
        %add3A_36 = arith.constant 2 : i32
        %add3A_37 = arith.addi %add3A_23, %add3A_36 : i32
        %lt3A_38 = arith.cmpi slt, %add3A_37, %select_n3A : i32
        %convert_element_type3A_39 = arith.extui %lt3A_38 : i1 to i32
        %cond3A_40 = arith.constant 0 : i32
        %cond3A_41 = arith.cmpi ne, %convert_element_type3A_39, %cond3A_40 : i32
        scf.if %cond3A_41 {
          %add3A_51 = arith.constant 2 : i32
          %add3A_52 = arith.addi %add3A_23, %add3A_51 : i32
          %mul3A_53 = arith.constant 128 : i32
          %mul3A_54 = arith.muli %add3A_52, %mul3A_53 : i32
          %add3A_55 = arith.addi %select_n3A_8, %mul3A_54 : i32
          %multiple_of3A_56 = tpu.assume_multiple %add3A_55, 8 : i32
          "tpu.region"() ({
            %run_scoped3A = tpu.sem_alloc : memref<!tpu.dma_semaphore, #tpu.memory_space<semaphore_mem>>
            %dma_start3A_57 = tpu.memref_slice %arg3[%multiple_of3A_56] : memref<323584xi32, #tpu.memory_space<hbm>> -> memref<128xi32, #tpu.memory_space<hbm>>
            %dma_start3A_58 = tpu.memref_slice %arg3[%multiple_of3A_56] : memref<323584xi32, #tpu.memory_space<hbm>> -> memref<128xi32, #tpu.memory_space<hbm>>
            tpu.enqueue_dma source(%dma_start3A_58 : memref<128xi32, #tpu.memory_space<hbm>>) target(%arg7 : memref<128xi32, #tpu.memory_space<vmem>>) target_semaphore(%run_scoped3A : memref<!tpu.dma_semaphore, #tpu.memory_space<semaphore_mem>>)
            %dma_wait3A_59 = tpu.memref_slice %arg3[%multiple_of3A_56] : memref<323584xi32, #tpu.memory_space<hbm>> -> memref<128xi32, #tpu.memory_space<hbm>>
            %dma_wait3A_60 = tpu.memref_slice %arg3[%multiple_of3A_56] : memref<323584xi32, #tpu.memory_space<hbm>> -> memref<128xi32, #tpu.memory_space<hbm>>
            tpu.wait_dma2 semaphore(%run_scoped3A : memref<!tpu.dma_semaphore, #tpu.memory_space<semaphore_mem>>) src(%dma_wait3A_60 : memref<128xi32, #tpu.memory_space<hbm>>) dst(%arg7 : memref<128xi32, #tpu.memory_space<vmem>>)
            tpu.yield
          }) : () -> ()
          "tpu.region"() ({
            %run_scoped3A = tpu.sem_alloc : memref<!tpu.dma_semaphore, #tpu.memory_space<semaphore_mem>>
            %dma_start3A_57 = tpu.memref_slice %arg4[%multiple_of3A_56] : memref<323584xi32, #tpu.memory_space<hbm>> -> memref<128xi32, #tpu.memory_space<hbm>>
            %dma_start3A_58 = tpu.memref_slice %arg4[%multiple_of3A_56] : memref<323584xi32, #tpu.memory_space<hbm>> -> memref<128xi32, #tpu.memory_space<hbm>>
            tpu.enqueue_dma source(%dma_start3A_58 : memref<128xi32, #tpu.memory_space<hbm>>) target(%arg9 : memref<128xi32, #tpu.memory_space<vmem>>) target_semaphore(%run_scoped3A : memref<!tpu.dma_semaphore, #tpu.memory_space<semaphore_mem>>)
            %dma_wait3A_59 = tpu.memref_slice %arg4[%multiple_of3A_56] : memref<323584xi32, #tpu.memory_space<hbm>> -> memref<128xi32, #tpu.memory_space<hbm>>
            %dma_wait3A_60 = tpu.memref_slice %arg4[%multiple_of3A_56] : memref<323584xi32, #tpu.memory_space<hbm>> -> memref<128xi32, #tpu.memory_space<hbm>>
            tpu.wait_dma2 semaphore(%run_scoped3A : memref<!tpu.dma_semaphore, #tpu.memory_space<semaphore_mem>>) src(%dma_wait3A_60 : memref<128xi32, #tpu.memory_space<hbm>>) dst(%arg9 : memref<128xi32, #tpu.memory_space<vmem>>)
            tpu.yield
          }) : () -> ()
        } else {
        }
        %dma_wait3A_42 = arith.constant 0 : i32
        %dma_wait3A_43 = arith.constant 0 : i32
        %dma_wait3A_44 = tpu.memref_slice %arg2[%dma_wait3A_42, %dma_wait3A_43] : memref<10000x128xf32, #tpu.memory_space<hbm>> -> memref<10000x128xf32, #tpu.memory_space<hbm>>
        tpu.wait_indirect_dma semaphore(%arg15 : memref<!tpu.dma_semaphore, #tpu.memory_space<semaphore_mem>>) src(%dma_wait3A_44 : memref<10000x128xf32, #tpu.memory_space<hbm>>) dst(%arg12 : memref<128x128xf32, #tpu.memory_space<vmem>>)
        %add3A_45 = arith.constant 2 : i32
        %add3A_46 = arith.addi %add3A_23, %add3A_45 : i32
        %lt3A_47 = arith.cmpi slt, %add3A_46, %select_n3A : i32
        %convert_element_type3A_48 = arith.extui %lt3A_47 : i1 to i32
        %cond3A_49 = arith.constant 0 : i32
        %cond3A_50 = arith.cmpi ne, %convert_element_type3A_48, %cond3A_49 : i32
        scf.if %cond3A_50 {
          %dma_start3A_51 = arith.constant 0 : i32
          %dma_start3A_52 = arith.constant 0 : i32
          %dma_start3A_53 = tpu.memref_slice %arg2[%dma_start3A_51, %dma_start3A_52] : memref<10000x128xf32, #tpu.memory_space<hbm>> -> memref<10000x128xf32, #tpu.memory_space<hbm>>
          tpu.enqueue_indirect_dma source(%dma_start3A_53 : memref<10000x128xf32, #tpu.memory_space<hbm>>) target(%arg11 : memref<128x128xf32, #tpu.memory_space<vmem>>) offsets(%arg7 : memref<128xi32, #tpu.memory_space<vmem>>) semaphore(%arg14 : memref<!tpu.dma_semaphore, #tpu.memory_space<semaphore_mem>>)
        } else {
        }
        "tpu.region"() ({
          %run_scoped3A = tpu.sem_alloc : memref<!tpu.dma_semaphore, #tpu.memory_space<semaphore_mem>>
          %dma_start3A_51 = arith.constant 0 : i32
          %dma_start3A_52 = arith.constant 0 : i32
          %dma_start3A_53 = tpu.memref_slice %arg13[%dma_start3A_51, %dma_start3A_52] : memref<10240x128xf32, #tpu.memory_space<vmem_shared>> -> memref<10240x128xf32, #tpu.memory_space<vmem_shared>>
          tpu.enqueue_indirect_dma source(%arg12 : memref<128x128xf32, #tpu.memory_space<vmem>>) target(%dma_start3A_53 : memref<10240x128xf32, #tpu.memory_space<vmem_shared>>) offsets(%arg10 : memref<128xi32, #tpu.memory_space<vmem>>) semaphore(%run_scoped3A : memref<!tpu.dma_semaphore, #tpu.memory_space<semaphore_mem>>) {add = true}
          %dma_wait3A_54 = arith.constant 0 : i32
          %dma_wait3A_55 = arith.constant 0 : i32
          %dma_wait3A_56 = tpu.memref_slice %arg13[%dma_wait3A_54, %dma_wait3A_55] : memref<10240x128xf32, #tpu.memory_space<vmem_shared>> -> memref<10240x128xf32, #tpu.memory_space<vmem_shared>>
          tpu.wait_indirect_dma semaphore(%run_scoped3A : memref<!tpu.dma_semaphore, #tpu.memory_space<semaphore_mem>>) src(%arg12 : memref<128x128xf32, #tpu.memory_space<vmem>>) dst(%dma_wait3A_56 : memref<10240x128xf32, #tpu.memory_space<vmem_shared>>)
          tpu.yield
        }) : () -> ()
      } else {
      }
    }
    %scan3A_17 = arith.constant 44 : i32
    %barrier3A_18 = arith.constant 0 : index
    tpu.barrier barrier_id(%barrier3A_18)
    "tpu.region"() ({
      %run_scoped3A = tpu.sem_alloc : memref<!tpu.dma_semaphore, #tpu.memory_space<semaphore_mem>>
      %dma_start3A_19 = arith.constant 0 : i32
      %dma_start3A_20 = tpu.memref_slice %arg6[%arg0, %multiple_of3A, %dma_start3A_19] : memref<2x10240x128xf32, #tpu.memory_space<hbm>> -> memref<1x640x128xf32, #tpu.memory_space<hbm>>
      %dma_start3A_21 = tpu.memref_squeeze %dma_start3A_20 : memref<1x640x128xf32, #tpu.memory_space<hbm>> -> memref<640x128xf32, #tpu.memory_space<hbm>>
      %dma_start3A_22 = arith.constant 0 : i32
      %dma_start3A_23 = tpu.memref_slice %arg13[%multiple_of3A, %dma_start3A_22] : memref<10240x128xf32, #tpu.memory_space<vmem_shared>> -> memref<640x128xf32, #tpu.memory_space<vmem_shared>>
      tpu.enqueue_dma source(%dma_start3A_23 : memref<640x128xf32, #tpu.memory_space<vmem_shared>>) target(%dma_start3A_21 : memref<640x128xf32, #tpu.memory_space<hbm>>) target_semaphore(%run_scoped3A : memref<!tpu.dma_semaphore, #tpu.memory_space<semaphore_mem>>)
      %dma_wait3A = arith.constant 0 : i32
      %dma_wait3A_24 = tpu.memref_slice %arg6[%arg0, %multiple_of3A, %dma_wait3A] : memref<2x10240x128xf32, #tpu.memory_space<hbm>> -> memref<1x640x128xf32, #tpu.memory_space<hbm>>
      %dma_wait3A_25 = tpu.memref_squeeze %dma_wait3A_24 : memref<1x640x128xf32, #tpu.memory_space<hbm>> -> memref<640x128xf32, #tpu.memory_space<hbm>>
      %dma_wait3A_26 = arith.constant 0 : i32
      %dma_wait3A_27 = tpu.memref_slice %arg13[%multiple_of3A, %dma_wait3A_26] : memref<10240x128xf32, #tpu.memory_space<vmem_shared>> -> memref<640x128xf32, #tpu.memory_space<vmem_shared>>
      tpu.wait_dma2 semaphore(%run_scoped3A : memref<!tpu.dma_semaphore, #tpu.memory_space<semaphore_mem>>) src(%dma_wait3A_27 : memref<640x128xf32, #tpu.memory_space<vmem_shared>>) dst(%dma_wait3A_25 : memref<640x128xf32, #tpu.memory_space<hbm>>)
      tpu.yield
    }) : () -> ()
    return
  }
}

#map = affine_map<(d0, d1) -> (0, 0, 0)>
#map1 = affine_map<(d0, d1) -> (0, 0)>
module attributes {stable_mosaic.version = 14 : i64} {
  func.func @body(%arg0: i32, %arg1: i32, %arg2: memref<32x80x128xi32, #tpu.memory_space<hbm>>, %arg3: memref<10240x128xf32, #tpu.memory_space<hbm>>, %arg4: memref<2x10240x128xf32, #tpu.memory_space<hbm>>, %arg5: memref<80x128xi32, #tpu.memory_space<vmem>>, %arg6: memref<128x128xf32, #tpu.memory_space<vmem>>, %arg7: memref<10240x128xf32, #tpu.memory_space<vmem_shared>>) attributes {dimension_semantics = [#tpu.dimension_semantics<core_parallel>, #tpu.dimension_semantics<subcore_parallel>], iteration_bounds = array<i64: 2, 16>, scalar_prefetch = 0 : i64, scratch_operands = 3 : i64, tpu.core_type = #tpu.core_type<sc_vector_subcore>, window_params = [{transform_indices = #map}, {transform_indices = #map1}, {transform_indices = #map}]} {
    %mul3A = arith.constant 2 : i32
    %mul3A_0 = arith.muli %arg1, %mul3A : i32
    %add3A = arith.addi %mul3A_0, %arg0 : i32
    %mul3A_1 = arith.constant 640 : i32
    %mul3A_2 = arith.muli %arg1, %mul3A_1 : i32
    %multiple_of3A = tpu.assume_multiple %mul3A_2, 8 : i32
    %scan3A = arith.constant 0 : i32
    %scan3A_3 = arith.constant 128 : i32
    %scan3A_4 = arith.addi %scan3A, %scan3A_3 : i32
    %scan3A_5 = arith.constant 1 : i32
    scf.for %scan3A_13 = %scan3A to %scan3A_4 step %scan3A_5  : i32 {
      %mul3A_14 = arith.constant 1 : i32
      %mul3A_15 = arith.muli %scan3A_13, %mul3A_14 : i32
      %add3A_16 = arith.constant 0 : i32
      %add3A_17 = arith.addi %add3A_16, %mul3A_15 : i32
      %scan3A_18 = arith.constant 0 : i32
      %scan3A_19 = arith.constant 8 : i32
      %scan3A_20 = arith.addi %scan3A_18, %scan3A_19 : i32
      %scan3A_21 = arith.constant 1 : i32
      scf.for %scan3A_23 = %scan3A_18 to %scan3A_20 step %scan3A_21  : i32 {
        %mul3A_24 = arith.constant 1 : i32
        %mul3A_25 = arith.muli %scan3A_23, %mul3A_24 : i32
        %add3A_26 = arith.constant 0 : i32
        %add3A_27 = arith.addi %add3A_26, %mul3A_25 : i32
        %broadcast_in_dim3A = arith.constant 1.000000e+00 : f32
        %broadcast_in_dim3A_28 = vector.broadcast %broadcast_in_dim3A : f32 to vector<16xf32>
        %mul3A_29 = arith.constant 16 : i32
        %mul3A_30 = arith.muli %add3A_27, %mul3A_29 : i32
        %swap3A = arith.index_cast %add3A_17 : i32 to index
        %swap3A_31 = arith.index_cast %mul3A_30 : i32 to index
        %swap3A_32 = tpu.vector_load %arg6[%swap3A, %swap3A_31] {strides = array<i32>} : memref<128x128xf32, #tpu.memory_space<vmem>>, vector<1x16xf32>,
        %swap3A_33 = vector.shape_cast %swap3A_32 : vector<1x16xf32> to vector<16xf32>
        %swap3A_34 = vector.shape_cast %broadcast_in_dim3A_28 : vector<16xf32> to vector<1x16xf32>
        tpu.vector_store %arg6[%swap3A, %swap3A_31], %swap3A_34 {strides = array<i32>} : memref<128x128xf32, #tpu.memory_space<vmem>>, vector<1x16xf32>,
      }
      %scan3A_22 = arith.constant 8 : i32
    }
    %scan3A_6 = arith.constant 128 : i32
    "tpu.region"() ({
      %run_scoped3A = tpu.sem_alloc : memref<!tpu.dma_semaphore, #tpu.memory_space<semaphore_mem>>
      %dma_start3A = arith.constant 0 : i32
      %dma_start3A_13 = tpu.memref_slice %arg7[%multiple_of3A, %dma_start3A] : memref<10240x128xf32, #tpu.memory_space<vmem_shared>> -> memref<640x128xf32, #tpu.memory_space<vmem_shared>>
      %dma_start3A_14 = arith.constant 0 : i32
      %dma_start3A_15 = tpu.memref_slice %arg3[%multiple_of3A, %dma_start3A_14] : memref<10240x128xf32, #tpu.memory_space<hbm>> -> memref<640x128xf32, #tpu.memory_space<hbm>>
      tpu.enqueue_dma source(%dma_start3A_15 : memref<640x128xf32, #tpu.memory_space<hbm>>) target(%dma_start3A_13 : memref<640x128xf32, #tpu.memory_space<vmem_shared>>) target_semaphore(%run_scoped3A : memref<!tpu.dma_semaphore, #tpu.memory_space<semaphore_mem>>)
      %dma_wait3A = arith.constant 0 : i32
      %dma_wait3A_16 = tpu.memref_slice %arg7[%multiple_of3A, %dma_wait3A] : memref<10240x128xf32, #tpu.memory_space<vmem_shared>> -> memref<640x128xf32, #tpu.memory_space<vmem_shared>>
      %dma_wait3A_17 = arith.constant 0 : i32
      %dma_wait3A_18 = tpu.memref_slice %arg3[%multiple_of3A, %dma_wait3A_17] : memref<10240x128xf32, #tpu.memory_space<hbm>> -> memref<640x128xf32, #tpu.memory_space<hbm>>
      tpu.wait_dma2 semaphore(%run_scoped3A : memref<!tpu.dma_semaphore, #tpu.memory_space<semaphore_mem>>) src(%dma_wait3A_18 : memref<640x128xf32, #tpu.memory_space<hbm>>) dst(%dma_wait3A_16 : memref<640x128xf32, #tpu.memory_space<vmem_shared>>)
      tpu.yield
    }) : () -> ()
    "tpu.region"() ({
      %run_scoped3A = tpu.sem_alloc : memref<!tpu.dma_semaphore, #tpu.memory_space<semaphore_mem>>
      %dma_start3A = arith.constant 0 : i32
      %dma_start3A_13 = arith.constant 0 : i32
      %dma_start3A_14 = tpu.memref_slice %arg2[%add3A, %dma_start3A, %dma_start3A_13] : memref<32x80x128xi32, #tpu.memory_space<hbm>> -> memref<1x80x128xi32, #tpu.memory_space<hbm>>
      %dma_start3A_15 = tpu.memref_squeeze %dma_start3A_14 : memref<1x80x128xi32, #tpu.memory_space<hbm>> -> memref<80x128xi32, #tpu.memory_space<hbm>>
      %dma_start3A_16 = arith.constant 0 : i32
      %dma_start3A_17 = arith.constant 0 : i32
      %dma_start3A_18 = tpu.memref_slice %arg2[%add3A, %dma_start3A_16, %dma_start3A_17] : memref<32x80x128xi32, #tpu.memory_space<hbm>> -> memref<1x80x128xi32, #tpu.memory_space<hbm>>
      %dma_start3A_19 = tpu.memref_squeeze %dma_start3A_18 : memref<1x80x128xi32, #tpu.memory_space<hbm>> -> memref<80x128xi32, #tpu.memory_space<hbm>>
      tpu.enqueue_dma source(%dma_start3A_19 : memref<80x128xi32, #tpu.memory_space<hbm>>) target(%arg5 : memref<80x128xi32, #tpu.memory_space<vmem>>) target_semaphore(%run_scoped3A : memref<!tpu.dma_semaphore, #tpu.memory_space<semaphore_mem>>)
      %dma_wait3A = arith.constant 0 : i32
      %dma_wait3A_20 = arith.constant 0 : i32
      %dma_wait3A_21 = tpu.memref_slice %arg2[%add3A, %dma_wait3A, %dma_wait3A_20] : memref<32x80x128xi32, #tpu.memory_space<hbm>> -> memref<1x80x128xi32, #tpu.memory_space<hbm>>
      %dma_wait3A_22 = tpu.memref_squeeze %dma_wait3A_21 : memref<1x80x128xi32, #tpu.memory_space<hbm>> -> memref<80x128xi32, #tpu.memory_space<hbm>>
      %dma_wait3A_23 = arith.constant 0 : i32
      %dma_wait3A_24 = arith.constant 0 : i32
      %dma_wait3A_25 = tpu.memref_slice %arg2[%add3A, %dma_wait3A_23, %dma_wait3A_24] : memref<32x80x128xi32, #tpu.memory_space<hbm>> -> memref<1x80x128xi32, #tpu.memory_space<hbm>>
      %dma_wait3A_26 = tpu.memref_squeeze %dma_wait3A_25 : memref<1x80x128xi32, #tpu.memory_space<hbm>> -> memref<80x128xi32, #tpu.memory_space<hbm>>
      tpu.wait_dma2 semaphore(%run_scoped3A : memref<!tpu.dma_semaphore, #tpu.memory_space<semaphore_mem>>) src(%dma_wait3A_26 : memref<80x128xi32, #tpu.memory_space<hbm>>) dst(%arg5 : memref<80x128xi32, #tpu.memory_space<vmem>>)
      tpu.yield
    }) : () -> ()
    %barrier3A = arith.constant 0 : index
    tpu.barrier barrier_id(%barrier3A)
    %scan3A_7 = arith.constant 0 : i32
    %scan3A_8 = arith.constant 80 : i32
    %scan3A_9 = arith.addi %scan3A_7, %scan3A_8 : i32
    %scan3A_10 = arith.constant 1 : i32
    scf.for %scan3A_13 = %scan3A_7 to %scan3A_9 step %scan3A_10  : i32 {
      %mul3A_14 = arith.constant 1 : i32
      %mul3A_15 = arith.muli %scan3A_13, %mul3A_14 : i32
      %add3A_16 = arith.constant 0 : i32
      %add3A_17 = arith.addi %add3A_16, %mul3A_15 : i32
      "tpu.region"() ({
        %run_scoped3A = tpu.sem_alloc : memref<!tpu.dma_semaphore, #tpu.memory_space<semaphore_mem>>
        %dma_start3A = arith.constant 0 : i32
        %dma_start3A_18 = tpu.memref_slice %arg5[%add3A_17, %dma_start3A] : memref<80x128xi32, #tpu.memory_space<vmem>> -> memref<1x128xi32, #tpu.memory_space<vmem>>
        %dma_start3A_19 = tpu.memref_squeeze %dma_start3A_18 : memref<1x128xi32, #tpu.memory_space<vmem>> -> memref<128xi32, #tpu.memory_space<vmem>>
        %dma_start3A_20 = arith.constant 0 : i32
        %dma_start3A_21 = arith.constant 0 : i32
        %dma_start3A_22 = tpu.memref_slice %arg7[%dma_start3A_20, %dma_start3A_21] : memref<10240x128xf32, #tpu.memory_space<vmem_shared>> -> memref<10240x128xf32, #tpu.memory_space<vmem_shared>>
        tpu.enqueue_indirect_dma source(%arg6 : memref<128x128xf32, #tpu.memory_space<vmem>>) target(%dma_start3A_22 : memref<10240x128xf32, #tpu.memory_space<vmem_shared>>) offsets(%dma_start3A_19 : memref<128xi32, #tpu.memory_space<vmem>>) semaphore(%run_scoped3A : memref<!tpu.dma_semaphore, #tpu.memory_space<semaphore_mem>>) {add = true}
        %dma_wait3A = arith.constant 0 : i32
        %dma_wait3A_23 = tpu.memref_slice %arg5[%add3A_17, %dma_wait3A] : memref<80x128xi32, #tpu.memory_space<vmem>> -> memref<1x128xi32, #tpu.memory_space<vmem>>
        %dma_wait3A_24 = tpu.memref_squeeze %dma_wait3A_23 : memref<1x128xi32, #tpu.memory_space<vmem>> -> memref<128xi32, #tpu.memory_space<vmem>>
        %dma_wait3A_25 = arith.constant 0 : i32
        %dma_wait3A_26 = arith.constant 0 : i32
        %dma_wait3A_27 = tpu.memref_slice %arg7[%dma_wait3A_25, %dma_wait3A_26] : memref<10240x128xf32, #tpu.memory_space<vmem_shared>> -> memref<10240x128xf32, #tpu.memory_space<vmem_shared>>
        tpu.wait_indirect_dma semaphore(%run_scoped3A : memref<!tpu.dma_semaphore, #tpu.memory_space<semaphore_mem>>) src(%arg6 : memref<128x128xf32, #tpu.memory_space<vmem>>) dst(%dma_wait3A_27 : memref<10240x128xf32, #tpu.memory_space<vmem_shared>>)
        tpu.yield
      }) : () -> ()
    }
    %scan3A_11 = arith.constant 80 : i32
    %barrier3A_12 = arith.constant 0 : index
    tpu.barrier barrier_id(%barrier3A_12)
    "tpu.region"() ({
      %run_scoped3A = tpu.sem_alloc : memref<!tpu.dma_semaphore, #tpu.memory_space<semaphore_mem>>
      %dma_start3A = arith.constant 0 : i32
      %dma_start3A_13 = tpu.memref_slice %arg4[%arg0, %multiple_of3A, %dma_start3A] : memref<2x10240x128xf32, #tpu.memory_space<hbm>> -> memref<1x640x128xf32, #tpu.memory_space<hbm>>
      %dma_start3A_14 = tpu.memref_squeeze %dma_start3A_13 : memref<1x640x128xf32, #tpu.memory_space<hbm>> -> memref<640x128xf32, #tpu.memory_space<hbm>>
      %dma_start3A_15 = arith.constant 0 : i32
      %dma_start3A_16 = tpu.memref_slice %arg7[%multiple_of3A, %dma_start3A_15] : memref<10240x128xf32, #tpu.memory_space<vmem_shared>> -> memref<640x128xf32, #tpu.memory_space<vmem_shared>>
      tpu.enqueue_dma source(%dma_start3A_16 : memref<640x128xf32, #tpu.memory_space<vmem_shared>>) target(%dma_start3A_14 : memref<640x128xf32, #tpu.memory_space<hbm>>) target_semaphore(%run_scoped3A : memref<!tpu.dma_semaphore, #tpu.memory_space<semaphore_mem>>)
      %dma_wait3A = arith.constant 0 : i32
      %dma_wait3A_17 = tpu.memref_slice %arg4[%arg0, %multiple_of3A, %dma_wait3A] : memref<2x10240x128xf32, #tpu.memory_space<hbm>> -> memref<1x640x128xf32, #tpu.memory_space<hbm>>
      %dma_wait3A_18 = tpu.memref_squeeze %dma_wait3A_17 : memref<1x640x128xf32, #tpu.memory_space<hbm>> -> memref<640x128xf32, #tpu.memory_space<hbm>>
      %dma_wait3A_19 = arith.constant 0 : i32
      %dma_wait3A_20 = tpu.memref_slice %arg7[%multiple_of3A, %dma_wait3A_19] : memref<10240x128xf32, #tpu.memory_space<vmem_shared>> -> memref<640x128xf32, #tpu.memory_space<vmem_shared>>
      tpu.wait_dma2 semaphore(%run_scoped3A : memref<!tpu.dma_semaphore, #tpu.memory_space<semaphore_mem>>) src(%dma_wait3A_20 : memref<640x128xf32, #tpu.memory_space<vmem_shared>>) dst(%dma_wait3A_18 : memref<640x128xf32, #tpu.memory_space<hbm>>)
      tpu.yield
    }) : () -> ()
    return
  }
}

#map = affine_map<(d0, d1) -> (0, 0)>
#map1 = affine_map<(d0, d1) -> (0)>
#map2 = affine_map<(d0, d1) -> (0, 0, 0)>
module attributes {stable_mosaic.version = 14 : i64} {
  func.func @body(%arg0: i32, %arg1: i32, %arg2: memref<10000x128xf32, #tpu.memory_space<hbm>>, %arg3: memref<323584xi32, #tpu.memory_space<hbm>>, %arg4: memref<323584xi32, #tpu.memory_space<hbm>>, %arg5: memref<10240x128xf32, #tpu.memory_space<hbm>>, %arg6: memref<2x10240x128xf32, #tpu.memory_space<hbm>>, %arg7: memref<128xi32, #tpu.memory_space<vmem>>, %arg8: memref<128xi32, #tpu.memory_space<vmem>>, %arg9: memref<128xi32, #tpu.memory_space<vmem>>, %arg10: memref<128xi32, #tpu.memory_space<vmem>>, %arg11: memref<128x128xf32, #tpu.memory_space<vmem>>, %arg12: memref<128x128xf32, #tpu.memory_space<vmem>>, %arg13: memref<10240x128xf32, #tpu.memory_space<vmem_shared>>, %arg14: memref<!tpu.dma_semaphore, #tpu.memory_space<semaphore_mem>>, %arg15: memref<!tpu.dma_semaphore, #tpu.memory_space<semaphore_mem>>) attributes {dimension_semantics = [#tpu.dimension_semantics<core_parallel>, #tpu.dimension_semantics<subcore_parallel>], iteration_bounds = array<i64: 2, 16>, scalar_prefetch = 0 : i64, scratch_operands = 9 : i64, tpu.core_type = #tpu.core_type<sc_vector_subcore>, window_params = [{transform_indices = #map}, {transform_indices = #map1}, {transform_indices = #map1}, {transform_indices = #map}, {transform_indices = #map2}]} {
    %mul3A = arith.constant 640 : i32
    %mul3A_0 = arith.muli %arg1, %mul3A : i32
    %multiple_of3A = tpu.assume_multiple %mul3A_0, 8 : i32
    "tpu.region"() ({
      %run_scoped3A = tpu.sem_alloc : memref<!tpu.dma_semaphore, #tpu.memory_space<semaphore_mem>>
      %dma_start3A_19 = arith.constant 0 : i32
      %dma_start3A_20 = tpu.memref_slice %arg13[%multiple_of3A, %dma_start3A_19] : memref<10240x128xf32, #tpu.memory_space<vmem_shared>> -> memref<640x128xf32, #tpu.memory_space<vmem_shared>>
      %dma_start3A_21 = arith.constant 0 : i32
      %dma_start3A_22 = tpu.memref_slice %arg5[%multiple_of3A, %dma_start3A_21] : memref<10240x128xf32, #tpu.memory_space<hbm>> -> memref<640x128xf32, #tpu.memory_space<hbm>>
      tpu.enqueue_dma source(%dma_start3A_22 : memref<640x128xf32, #tpu.memory_space<hbm>>) target(%dma_start3A_20 : memref<640x128xf32, #tpu.memory_space<vmem_shared>>) target_semaphore(%run_scoped3A : memref<!tpu.dma_semaphore, #tpu.memory_space<semaphore_mem>>)
      %dma_wait3A = arith.constant 0 : i32
      %dma_wait3A_23 = tpu.memref_slice %arg13[%multiple_of3A, %dma_wait3A] : memref<10240x128xf32, #tpu.memory_space<vmem_shared>> -> memref<640x128xf32, #tpu.memory_space<vmem_shared>>
      %dma_wait3A_24 = arith.constant 0 : i32
      %dma_wait3A_25 = tpu.memref_slice %arg5[%multiple_of3A, %dma_wait3A_24] : memref<10240x128xf32, #tpu.memory_space<hbm>> -> memref<640x128xf32, #tpu.memory_space<hbm>>
      tpu.wait_dma2 semaphore(%run_scoped3A : memref<!tpu.dma_semaphore, #tpu.memory_space<semaphore_mem>>) src(%dma_wait3A_25 : memref<640x128xf32, #tpu.memory_space<hbm>>) dst(%dma_wait3A_23 : memref<640x128xf32, #tpu.memory_space<vmem_shared>>)
      tpu.yield
    }) : () -> ()
    %barrier3A = arith.constant 0 : index
    tpu.barrier barrier_id(%barrier3A)
    %eq3A = arith.constant 1 : i32
    %eq3A_1 = arith.cmpi eq, %arg0, %eq3A : i32
    %jit3A = arith.constant 70 : i32
    %jit3A_2 = arith.constant 88 : i32
    %select_n3A = arith.select %eq3A_1, %jit3A, %jit3A_2 : i32
    %mul3A_3 = arith.constant 8960 : i32
    %mul3A_4 = arith.muli %arg1, %mul3A_3 : i32
    %mul3A_5 = arith.constant 11264 : i32
    %mul3A_6 = arith.muli %arg1, %mul3A_5 : i32
    %add3A = arith.constant 143360 : i32
    %add3A_7 = arith.addi %add3A, %mul3A_6 : i32
    %select_n3A_8 = arith.select %eq3A_1, %mul3A_4, %add3A_7 : i32
    %add3A_9 = arith.constant 0 : i32
    %add3A_10 = arith.addi %select_n3A_8, %add3A_9 : i32
    %multiple_of3A_11 = tpu.assume_multiple %add3A_10, 8 : i32
    "tpu.region"() ({
      %run_scoped3A = tpu.sem_alloc : memref<!tpu.dma_semaphore, #tpu.memory_space<semaphore_mem>>
      %dma_start3A_19 = tpu.memref_slice %arg3[%multiple_of3A_11] : memref<323584xi32, #tpu.memory_space<hbm>> -> memref<128xi32, #tpu.memory_space<hbm>>
      %dma_start3A_20 = tpu.memref_slice %arg3[%multiple_of3A_11] : memref<323584xi32, #tpu.memory_space<hbm>> -> memref<128xi32, #tpu.memory_space<hbm>>
      tpu.enqueue_dma source(%dma_start3A_20 : memref<128xi32, #tpu.memory_space<hbm>>) target(%arg7 : memref<128xi32, #tpu.memory_space<vmem>>) target_semaphore(%run_scoped3A : memref<!tpu.dma_semaphore, #tpu.memory_space<semaphore_mem>>)
      %dma_wait3A = tpu.memref_slice %arg3[%multiple_of3A_11] : memref<323584xi32, #tpu.memory_space<hbm>> -> memref<128xi32, #tpu.memory_space<hbm>>
      %dma_wait3A_21 = tpu.memref_slice %arg3[%multiple_of3A_11] : memref<323584xi32, #tpu.memory_space<hbm>> -> memref<128xi32, #tpu.memory_space<hbm>>
      tpu.wait_dma2 semaphore(%run_scoped3A : memref<!tpu.dma_semaphore, #tpu.memory_space<semaphore_mem>>) src(%dma_wait3A_21 : memref<128xi32, #tpu.memory_space<hbm>>) dst(%arg7 : memref<128xi32, #tpu.memory_space<vmem>>)
      tpu.yield
    }) : () -> ()
    "tpu.region"() ({
      %run_scoped3A = tpu.sem_alloc : memref<!tpu.dma_semaphore, #tpu.memory_space<semaphore_mem>>
      %dma_start3A_19 = tpu.memref_slice %arg4[%multiple_of3A_11] : memref<323584xi32, #tpu.memory_space<hbm>> -> memref<128xi32, #tpu.memory_space<hbm>>
      %dma_start3A_20 = tpu.memref_slice %arg4[%multiple_of3A_11] : memref<323584xi32, #tpu.memory_space<hbm>> -> memref<128xi32, #tpu.memory_space<hbm>>
      tpu.enqueue_dma source(%dma_start3A_20 : memref<128xi32, #tpu.memory_space<hbm>>) target(%arg9 : memref<128xi32, #tpu.memory_space<vmem>>) target_semaphore(%run_scoped3A : memref<!tpu.dma_semaphore, #tpu.memory_space<semaphore_mem>>)
      %dma_wait3A = tpu.memref_slice %arg4[%multiple_of3A_11] : memref<323584xi32, #tpu.memory_space<hbm>> -> memref<128xi32, #tpu.memory_space<hbm>>
      %dma_wait3A_21 = tpu.memref_slice %arg4[%multiple_of3A_11] : memref<323584xi32, #tpu.memory_space<hbm>> -> memref<128xi32, #tpu.memory_space<hbm>>
      tpu.wait_dma2 semaphore(%run_scoped3A : memref<!tpu.dma_semaphore, #tpu.memory_space<semaphore_mem>>) src(%dma_wait3A_21 : memref<128xi32, #tpu.memory_space<hbm>>) dst(%arg9 : memref<128xi32, #tpu.memory_space<vmem>>)
      tpu.yield
    }) : () -> ()
    %dma_start3A = arith.constant 0 : i32
    %dma_start3A_12 = arith.constant 0 : i32
    %dma_start3A_13 = tpu.memref_slice %arg2[%dma_start3A, %dma_start3A_12] : memref<10000x128xf32, #tpu.memory_space<hbm>> -> memref<10000x128xf32, #tpu.memory_space<hbm>>
    tpu.enqueue_indirect_dma source(%dma_start3A_13 : memref<10000x128xf32, #tpu.memory_space<hbm>>) target(%arg11 : memref<128x128xf32, #tpu.memory_space<vmem>>) offsets(%arg7 : memref<128xi32, #tpu.memory_space<vmem>>) semaphore(%arg14 : memref<!tpu.dma_semaphore, #tpu.memory_space<semaphore_mem>>)
    %scan3A = arith.constant 0 : i32
    %scan3A_14 = arith.constant 44 : i32
    %scan3A_15 = arith.addi %scan3A, %scan3A_14 : i32
    %scan3A_16 = arith.constant 1 : i32
    scf.for %scan3A_19 = %scan3A to %scan3A_15 step %scan3A_16  : i32 {
      %mul3A_20 = arith.constant 2 : i32
      %mul3A_21 = arith.muli %scan3A_19, %mul3A_20 : i32
      %add3A_22 = arith.constant 0 : i32
      %add3A_23 = arith.addi %add3A_22, %mul3A_21 : i32
      %lt3A = arith.cmpi slt, %add3A_23, %select_n3A : i32
      %convert_element_type3A = arith.extui %lt3A : i1 to i32
      %cond3A = arith.constant 0 : i32
      %cond3A_24 = arith.cmpi ne, %convert_element_type3A, %cond3A : i32
      scf.if %cond3A_24 {
        %add3A_25 = arith.constant 1 : i32
        %add3A_26 = arith.addi %add3A_23, %add3A_25 : i32
        %mul3A_27 = arith.constant 128 : i32
        %mul3A_28 = arith.muli %add3A_26, %mul3A_27 : i32
        %add3A_29 = arith.addi %select_n3A_8, %mul3A_28 : i32
        %multiple_of3A_30 = tpu.assume_multiple %add3A_29, 8 : i32
        "tpu.region"() ({
          %run_scoped3A = tpu.sem_alloc : memref<!tpu.dma_semaphore, #tpu.memory_space<semaphore_mem>>
          %dma_start3A_51 = tpu.memref_slice %arg3[%multiple_of3A_30] : memref<323584xi32, #tpu.memory_space<hbm>> -> memref<128xi32, #tpu.memory_space<hbm>>
          %dma_start3A_52 = tpu.memref_slice %arg3[%multiple_of3A_30] : memref<323584xi32, #tpu.memory_space<hbm>> -> memref<128xi32, #tpu.memory_space<hbm>>
          tpu.enqueue_dma source(%dma_start3A_52 : memref<128xi32, #tpu.memory_space<hbm>>) target(%arg8 : memref<128xi32, #tpu.memory_space<vmem>>) target_semaphore(%run_scoped3A : memref<!tpu.dma_semaphore, #tpu.memory_space<semaphore_mem>>)
          %dma_wait3A_53 = tpu.memref_slice %arg3[%multiple_of3A_30] : memref<323584xi32, #tpu.memory_space<hbm>> -> memref<128xi32, #tpu.memory_space<hbm>>
          %dma_wait3A_54 = tpu.memref_slice %arg3[%multiple_of3A_30] : memref<323584xi32, #tpu.memory_space<hbm>> -> memref<128xi32, #tpu.memory_space<hbm>>
          tpu.wait_dma2 semaphore(%run_scoped3A : memref<!tpu.dma_semaphore, #tpu.memory_space<semaphore_mem>>) src(%dma_wait3A_54 : memref<128xi32, #tpu.memory_space<hbm>>) dst(%arg8 : memref<128xi32, #tpu.memory_space<vmem>>)
          tpu.yield
        }) : () -> ()
        "tpu.region"() ({
          %run_scoped3A = tpu.sem_alloc : memref<!tpu.dma_semaphore, #tpu.memory_space<semaphore_mem>>
          %dma_start3A_51 = tpu.memref_slice %arg4[%multiple_of3A_30] : memref<323584xi32, #tpu.memory_space<hbm>> -> memref<128xi32, #tpu.memory_space<hbm>>
          %dma_start3A_52 = tpu.memref_slice %arg4[%multiple_of3A_30] : memref<323584xi32, #tpu.memory_space<hbm>> -> memref<128xi32, #tpu.memory_space<hbm>>
          tpu.enqueue_dma source(%dma_start3A_52 : memref<128xi32, #tpu.memory_space<hbm>>) target(%arg10 : memref<128xi32, #tpu.memory_space<vmem>>) target_semaphore(%run_scoped3A : memref<!tpu.dma_semaphore, #tpu.memory_space<semaphore_mem>>)
          %dma_wait3A_53 = tpu.memref_slice %arg4[%multiple_of3A_30] : memref<323584xi32, #tpu.memory_space<hbm>> -> memref<128xi32, #tpu.memory_space<hbm>>
          %dma_wait3A_54 = tpu.memref_slice %arg4[%multiple_of3A_30] : memref<323584xi32, #tpu.memory_space<hbm>> -> memref<128xi32, #tpu.memory_space<hbm>>
          tpu.wait_dma2 semaphore(%run_scoped3A : memref<!tpu.dma_semaphore, #tpu.memory_space<semaphore_mem>>) src(%dma_wait3A_54 : memref<128xi32, #tpu.memory_space<hbm>>) dst(%arg10 : memref<128xi32, #tpu.memory_space<vmem>>)
          tpu.yield
        }) : () -> ()
        %dma_wait3A = arith.constant 0 : i32
        %dma_wait3A_31 = arith.constant 0 : i32
        %dma_wait3A_32 = tpu.memref_slice %arg2[%dma_wait3A, %dma_wait3A_31] : memref<10000x128xf32, #tpu.memory_space<hbm>> -> memref<10000x128xf32, #tpu.memory_space<hbm>>
        tpu.wait_indirect_dma semaphore(%arg14 : memref<!tpu.dma_semaphore, #tpu.memory_space<semaphore_mem>>) src(%dma_wait3A_32 : memref<10000x128xf32, #tpu.memory_space<hbm>>) dst(%arg11 : memref<128x128xf32, #tpu.memory_space<vmem>>)
        %dma_start3A_33 = arith.constant 0 : i32
        %dma_start3A_34 = arith.constant 0 : i32
        %dma_start3A_35 = tpu.memref_slice %arg2[%dma_start3A_33, %dma_start3A_34] : memref<10000x128xf32, #tpu.memory_space<hbm>> -> memref<10000x128xf32, #tpu.memory_space<hbm>>
        tpu.enqueue_indirect_dma source(%dma_start3A_35 : memref<10000x128xf32, #tpu.memory_space<hbm>>) target(%arg12 : memref<128x128xf32, #tpu.memory_space<vmem>>) offsets(%arg8 : memref<128xi32, #tpu.memory_space<vmem>>) semaphore(%arg15 : memref<!tpu.dma_semaphore, #tpu.memory_space<semaphore_mem>>)
        "tpu.region"() ({
          %run_scoped3A = tpu.sem_alloc : memref<!tpu.dma_semaphore, #tpu.memory_space<semaphore_mem>>
          %dma_start3A_51 = arith.constant 0 : i32
          %dma_start3A_52 = arith.constant 0 : i32
          %dma_start3A_53 = tpu.memref_slice %arg13[%dma_start3A_51, %dma_start3A_52] : memref<10240x128xf32, #tpu.memory_space<vmem_shared>> -> memref<10240x128xf32, #tpu.memory_space<vmem_shared>>
          tpu.enqueue_indirect_dma source(%arg11 : memref<128x128xf32, #tpu.memory_space<vmem>>) target(%dma_start3A_53 : memref<10240x128xf32, #tpu.memory_space<vmem_shared>>) offsets(%arg9 : memref<128xi32, #tpu.memory_space<vmem>>) semaphore(%run_scoped3A : memref<!tpu.dma_semaphore, #tpu.memory_space<semaphore_mem>>) {add = true}
          %dma_wait3A_54 = arith.constant 0 : i32
          %dma_wait3A_55 = arith.constant 0 : i32
          %dma_wait3A_56 = tpu.memref_slice %arg13[%dma_wait3A_54, %dma_wait3A_55] : memref<10240x128xf32, #tpu.memory_space<vmem_shared>> -> memref<10240x128xf32, #tpu.memory_space<vmem_shared>>
          tpu.wait_indirect_dma semaphore(%run_scoped3A : memref<!tpu.dma_semaphore, #tpu.memory_space<semaphore_mem>>) src(%arg11 : memref<128x128xf32, #tpu.memory_space<vmem>>) dst(%dma_wait3A_56 : memref<10240x128xf32, #tpu.memory_space<vmem_shared>>)
          tpu.yield
        }) : () -> ()
        %add3A_36 = arith.constant 2 : i32
        %add3A_37 = arith.addi %add3A_23, %add3A_36 : i32
        %lt3A_38 = arith.cmpi slt, %add3A_37, %select_n3A : i32
        %convert_element_type3A_39 = arith.extui %lt3A_38 : i1 to i32
        %cond3A_40 = arith.constant 0 : i32
        %cond3A_41 = arith.cmpi ne, %convert_element_type3A_39, %cond3A_40 : i32
        scf.if %cond3A_41 {
          %add3A_51 = arith.constant 2 : i32
          %add3A_52 = arith.addi %add3A_23, %add3A_51 : i32
          %mul3A_53 = arith.constant 128 : i32
          %mul3A_54 = arith.muli %add3A_52, %mul3A_53 : i32
          %add3A_55 = arith.addi %select_n3A_8, %mul3A_54 : i32
          %multiple_of3A_56 = tpu.assume_multiple %add3A_55, 8 : i32
          "tpu.region"() ({
            %run_scoped3A = tpu.sem_alloc : memref<!tpu.dma_semaphore, #tpu.memory_space<semaphore_mem>>
            %dma_start3A_57 = tpu.memref_slice %arg3[%multiple_of3A_56] : memref<323584xi32, #tpu.memory_space<hbm>> -> memref<128xi32, #tpu.memory_space<hbm>>
            %dma_start3A_58 = tpu.memref_slice %arg3[%multiple_of3A_56] : memref<323584xi32, #tpu.memory_space<hbm>> -> memref<128xi32, #tpu.memory_space<hbm>>
            tpu.enqueue_dma source(%dma_start3A_58 : memref<128xi32, #tpu.memory_space<hbm>>) target(%arg7 : memref<128xi32, #tpu.memory_space<vmem>>) target_semaphore(%run_scoped3A : memref<!tpu.dma_semaphore, #tpu.memory_space<semaphore_mem>>)
            %dma_wait3A_59 = tpu.memref_slice %arg3[%multiple_of3A_56] : memref<323584xi32, #tpu.memory_space<hbm>> -> memref<128xi32, #tpu.memory_space<hbm>>
            %dma_wait3A_60 = tpu.memref_slice %arg3[%multiple_of3A_56] : memref<323584xi32, #tpu.memory_space<hbm>> -> memref<128xi32, #tpu.memory_space<hbm>>
            tpu.wait_dma2 semaphore(%run_scoped3A : memref<!tpu.dma_semaphore, #tpu.memory_space<semaphore_mem>>) src(%dma_wait3A_60 : memref<128xi32, #tpu.memory_space<hbm>>) dst(%arg7 : memref<128xi32, #tpu.memory_space<vmem>>)
            tpu.yield
          }) : () -> ()
          "tpu.region"() ({
            %run_scoped3A = tpu.sem_alloc : memref<!tpu.dma_semaphore, #tpu.memory_space<semaphore_mem>>
            %dma_start3A_57 = tpu.memref_slice %arg4[%multiple_of3A_56] : memref<323584xi32, #tpu.memory_space<hbm>> -> memref<128xi32, #tpu.memory_space<hbm>>
            %dma_start3A_58 = tpu.memref_slice %arg4[%multiple_of3A_56] : memref<323584xi32, #tpu.memory_space<hbm>> -> memref<128xi32, #tpu.memory_space<hbm>>
            tpu.enqueue_dma source(%dma_start3A_58 : memref<128xi32, #tpu.memory_space<hbm>>) target(%arg9 : memref<128xi32, #tpu.memory_space<vmem>>) target_semaphore(%run_scoped3A : memref<!tpu.dma_semaphore, #tpu.memory_space<semaphore_mem>>)
            %dma_wait3A_59 = tpu.memref_slice %arg4[%multiple_of3A_56] : memref<323584xi32, #tpu.memory_space<hbm>> -> memref<128xi32, #tpu.memory_space<hbm>>
            %dma_wait3A_60 = tpu.memref_slice %arg4[%multiple_of3A_56] : memref<323584xi32, #tpu.memory_space<hbm>> -> memref<128xi32, #tpu.memory_space<hbm>>
            tpu.wait_dma2 semaphore(%run_scoped3A : memref<!tpu.dma_semaphore, #tpu.memory_space<semaphore_mem>>) src(%dma_wait3A_60 : memref<128xi32, #tpu.memory_space<hbm>>) dst(%arg9 : memref<128xi32, #tpu.memory_space<vmem>>)
            tpu.yield
          }) : () -> ()
        } else {
        }
        %dma_wait3A_42 = arith.constant 0 : i32
        %dma_wait3A_43 = arith.constant 0 : i32
        %dma_wait3A_44 = tpu.memref_slice %arg2[%dma_wait3A_42, %dma_wait3A_43] : memref<10000x128xf32, #tpu.memory_space<hbm>> -> memref<10000x128xf32, #tpu.memory_space<hbm>>
        tpu.wait_indirect_dma semaphore(%arg15 : memref<!tpu.dma_semaphore, #tpu.memory_space<semaphore_mem>>) src(%dma_wait3A_44 : memref<10000x128xf32, #tpu.memory_space<hbm>>) dst(%arg12 : memref<128x128xf32, #tpu.memory_space<vmem>>)
        %add3A_45 = arith.constant 2 : i32
        %add3A_46 = arith.addi %add3A_23, %add3A_45 : i32
        %lt3A_47 = arith.cmpi slt, %add3A_46, %select_n3A : i32
        %convert_element_type3A_48 = arith.extui %lt3A_47 : i1 to i32
        %cond3A_49 = arith.constant 0 : i32
        %cond3A_50 = arith.cmpi ne, %convert_element_type3A_48, %cond3A_49 : i32
        scf.if %cond3A_50 {
          %dma_start3A_51 = arith.constant 0 : i32
          %dma_start3A_52 = arith.constant 0 : i32
          %dma_start3A_53 = tpu.memref_slice %arg2[%dma_start3A_51, %dma_start3A_52] : memref<10000x128xf32, #tpu.memory_space<hbm>> -> memref<10000x128xf32, #tpu.memory_space<hbm>>
          tpu.enqueue_indirect_dma source(%dma_start3A_53 : memref<10000x128xf32, #tpu.memory_space<hbm>>) target(%arg11 : memref<128x128xf32, #tpu.memory_space<vmem>>) offsets(%arg7 : memref<128xi32, #tpu.memory_space<vmem>>) semaphore(%arg14 : memref<!tpu.dma_semaphore, #tpu.memory_space<semaphore_mem>>)
        } else {
        }
        "tpu.region"() ({
          %run_scoped3A = tpu.sem_alloc : memref<!tpu.dma_semaphore, #tpu.memory_space<semaphore_mem>>
          %dma_start3A_51 = arith.constant 0 : i32
          %dma_start3A_52 = arith.constant 0 : i32
          %dma_start3A_53 = tpu.memref_slice %arg13[%dma_start3A_51, %dma_start3A_52] : memref<10240x128xf32, #tpu.memory_space<vmem_shared>> -> memref<10240x128xf32, #tpu.memory_space<vmem_shared>>
          tpu.enqueue_indirect_dma source(%arg12 : memref<128x128xf32, #tpu.memory_space<vmem>>) target(%dma_start3A_53 : memref<10240x128xf32, #tpu.memory_space<vmem_shared>>) offsets(%arg10 : memref<128xi32, #tpu.memory_space<vmem>>) semaphore(%run_scoped3A : memref<!tpu.dma_semaphore, #tpu.memory_space<semaphore_mem>>) {add = true}
          %dma_wait3A_54 = arith.constant 0 : i32
          %dma_wait3A_55 = arith.constant 0 : i32
          %dma_wait3A_56 = tpu.memref_slice %arg13[%dma_wait3A_54, %dma_wait3A_55] : memref<10240x128xf32, #tpu.memory_space<vmem_shared>> -> memref<10240x128xf32, #tpu.memory_space<vmem_shared>>
          tpu.wait_indirect_dma semaphore(%run_scoped3A : memref<!tpu.dma_semaphore, #tpu.memory_space<semaphore_mem>>) src(%arg12 : memref<128x128xf32, #tpu.memory_space<vmem>>) dst(%dma_wait3A_56 : memref<10240x128xf32, #tpu.memory_space<vmem_shared>>)
          tpu.yield
        }) : () -> ()
      } else {
      }
    }
    %scan3A_17 = arith.constant 44 : i32
    %barrier3A_18 = arith.constant 0 : index
    tpu.barrier barrier_id(%barrier3A_18)
    "tpu.region"() ({
      %run_scoped3A = tpu.sem_alloc : memref<!tpu.dma_semaphore, #tpu.memory_space<semaphore_mem>>
      %dma_start3A_19 = arith.constant 0 : i32
      %dma_start3A_20 = tpu.memref_slice %arg6[%arg0, %multiple_of3A, %dma_start3A_19] : memref<2x10240x128xf32, #tpu.memory_space<hbm>> -> memref<1x640x128xf32, #tpu.memory_space<hbm>>
      %dma_start3A_21 = tpu.memref_squeeze %dma_start3A_20 : memref<1x640x128xf32, #tpu.memory_space<hbm>> -> memref<640x128xf32, #tpu.memory_space<hbm>>
      %dma_start3A_22 = arith.constant 0 : i32
      %dma_start3A_23 = tpu.memref_slice %arg13[%multiple_of3A, %dma_start3A_22] : memref<10240x128xf32, #tpu.memory_space<vmem_shared>> -> memref<640x128xf32, #tpu.memory_space<vmem_shared>>
      tpu.enqueue_dma source(%dma_start3A_23 : memref<640x128xf32, #tpu.memory_space<vmem_shared>>) target(%dma_start3A_21 : memref<640x128xf32, #tpu.memory_space<hbm>>) target_semaphore(%run_scoped3A : memref<!tpu.dma_semaphore, #tpu.memory_space<semaphore_mem>>)
      %dma_wait3A = arith.constant 0 : i32
      %dma_wait3A_24 = tpu.memref_slice %arg6[%arg0, %multiple_of3A, %dma_wait3A] : memref<2x10240x128xf32, #tpu.memory_space<hbm>> -> memref<1x640x128xf32, #tpu.memory_space<hbm>>
      %dma_wait3A_25 = tpu.memref_squeeze %dma_wait3A_24 : memref<1x640x128xf32, #tpu.memory_space<hbm>> -> memref<640x128xf32, #tpu.memory_space<hbm>>
      %dma_wait3A_26 = arith.constant 0 : i32
      %dma_wait3A_27 = tpu.memref_slice %arg13[%multiple_of3A, %dma_wait3A_26] : memref<10240x128xf32, #tpu.memory_space<vmem_shared>> -> memref<640x128xf32, #tpu.memory_space<vmem_shared>>
      tpu.wait_dma2 semaphore(%run_scoped3A : memref<!tpu.dma_semaphore, #tpu.memory_space<semaphore_mem>>) src(%dma_wait3A_27 : memref<640x128xf32, #tpu.memory_space<vmem_shared>>) dst(%dma_wait3A_25 : memref<640x128xf32, #tpu.memory_space<hbm>>)
      tpu.yield
    }) : () -> ()
    return
  }
}

module attributes {stable_mosaic.version = 14 : i64} {
  func.func @_tc1_body(%arg0: memref<10000x128xf32, #tpu.memory_space<vmem>>, %arg1: memref<128x128xf32, #tpu.memory_space<vmem>>, %arg2: memref<1x128xf32, #tpu.memory_space<vmem>>, %arg3: memref<1x128xf32, #tpu.memory_space<vmem>>, %arg4: memref<1x128xf32, #tpu.memory_space<vmem>>, %arg5: memref<10000x128xf32, #tpu.memory_space<vmem>>) attributes {dimension_semantics = [], scalar_prefetch = 0 : i64, scratch_operands = 0 : i64, tpu.core_type = #tpu.core_type<tc>} {
    %get3A = arith.constant 0 : index
    %get3A_0 = arith.constant 0 : index
    %get3A_1 = vector.load %arg0[%get3A, %get3A_0] : memref<10000x128xf32, #tpu.memory_space<vmem>>, vector<10000x128xf32>
    %get3A_2 = arith.constant 0 : index
    %get3A_3 = arith.constant 0 : index
    %get3A_4 = vector.load %arg1[%get3A_2, %get3A_3] : memref<128x128xf32, #tpu.memory_space<vmem>>, vector<128x128xf32>
    %dot_general3A = arith.constant dense<0.000000e+00> : vector<10000x128xf32>
    %dot_general3A_5 = tpu.matmul %get3A_1, %get3A_4, %dot_general3A {dimension_numbers = #tpu.dot_dimension_numbers<[1], [1], [0], [0], [0, 0, 1, 0], [], []>, transpose_lhs_hint = false} : vector<10000x128xf32>, vector<128x128xf32>, vector<10000x128xf32> -> vector<10000x128xf32>
    %get3A_6 = arith.constant 0 : index
    %get3A_7 = arith.constant 0 : index
    %get3A_8 = vector.load %arg2[%get3A_6, %get3A_7] : memref<1x128xf32, #tpu.memory_space<vmem>>, vector<1x128xf32>
    %add3A = vector.broadcast %get3A_8 : vector<1x128xf32> to vector<10000x128xf32>
    %add3A_9 = arith.addf %dot_general3A_5, %add3A : vector<10000x128xf32>
    %ge3A = arith.constant 0.000000e+00 : f32
    %ge3A_10 = vector.broadcast %ge3A : f32 to vector<10000x128xf32>
    %ge3A_11 = arith.cmpf oge, %add3A_9, %ge3A_10 : vector<10000x128xf32>
    %mul3A = arith.constant 2.000000e-01 : f32
    %mul3A_12 = vector.broadcast %mul3A : f32 to vector<10000x128xf32>
    %mul3A_13 = arith.mulf %mul3A_12, %add3A_9 : vector<10000x128xf32>
    %select_n3A = arith.select %ge3A_11, %add3A_9, %mul3A_13 : vector<10000x128xi1>, vector<10000x128xf32>
    %get3A_14 = arith.constant 0 : index
    %get3A_15 = arith.constant 0 : index
    %get3A_16 = vector.load %arg3[%get3A_14, %get3A_15] : memref<1x128xf32, #tpu.memory_space<vmem>>, vector<1x128xf32>
    %get3A_17 = arith.constant 0 : index
    %get3A_18 = arith.constant 0 : index
    %get3A_19 = vector.load %arg4[%get3A_17, %get3A_18] : memref<1x128xf32, #tpu.memory_space<vmem>>, vector<1x128xf32>
    %reduce_sum3A = arith.constant dense<0.000000e+00> : vector<128xf32>
    %reduce_sum3A_20 = vector.multi_reduction <add>, %select_n3A, %reduce_sum3A [0] : vector<10000x128xf32> to vector<128xf32>
    %div3A = arith.constant 1.000000e+04 : f32
    %div3A_21 = vector.broadcast %div3A : f32 to vector<128xf32>
    %div3A_22 = arith.divf %reduce_sum3A_20, %div3A_21 : vector<128xf32>
    %jit3A = arith.constant 0 : i32
    %reduce_sum3A_23 = arith.constant dense<0.000000e+00> : vector<128xf32>
    %reduce_sum3A_24 = vector.multi_reduction <add>, %select_n3A, %reduce_sum3A_23 [0] : vector<10000x128xf32> to vector<128xf32>
    %broadcast_in_dim3A = vector.shape_cast %reduce_sum3A_24 : vector<128xf32> to vector<1x128xf32>
    %div3A_25 = arith.constant 1.000000e+04 : f32
    %div3A_26 = vector.broadcast %div3A_25 : f32 to vector<1x128xf32>
    %div3A_27 = arith.divf %broadcast_in_dim3A, %div3A_26 : vector<1x128xf32>
    %sub3A = vector.broadcast %div3A_27 : vector<1x128xf32> to vector<10000x128xf32>
    %sub3A_28 = arith.subf %select_n3A, %sub3A : vector<10000x128xf32>
    %square3A = arith.mulf %sub3A_28, %sub3A_28 : vector<10000x128xf32>
    %convert_element_type3A = arith.sitofp %jit3A : i32 to f32
    %sub3A_29 = arith.constant 1.000000e+04 : f32
    %sub3A_30 = arith.subf %sub3A_29, %convert_element_type3A : f32
    %reduce_sum3A_31 = arith.constant dense<0.000000e+00> : vector<128xf32>
    %reduce_sum3A_32 = vector.multi_reduction <add>, %square3A, %reduce_sum3A_31 [0] : vector<10000x128xf32> to vector<128xf32>
    %div3A_33 = vector.broadcast %sub3A_30 : f32 to vector<128xf32>
    %div3A_34 = arith.divf %reduce_sum3A_32, %div3A_33 : vector<128xf32>
    %gt3A = arith.constant 0.000000e+00 : f32
    %gt3A_35 = arith.cmpf ogt, %sub3A_30, %gt3A : f32
    %jit3A_36 = arith.constant 0x7FC00000 : f32
    %broadcast_in_dim3A_37 = vector.broadcast %jit3A_36 : f32 to vector<128xf32>
    %select_n3A_38 = arith.select %gt3A_35, %div3A_34, %broadcast_in_dim3A_37 : vector<128xf32>
    %broadcast_in_dim3A_39 = vector.shape_cast %div3A_22 : vector<128xf32> to vector<1x128xf32>
    %sub3A_40 = vector.broadcast %broadcast_in_dim3A_39 : vector<1x128xf32> to vector<10000x128xf32>
    %sub3A_41 = arith.subf %select_n3A, %sub3A_40 : vector<10000x128xf32>
    %add3A_42 = arith.constant 9.99999974E-6 : f32
    %add3A_43 = vector.broadcast %add3A_42 : f32 to vector<128xf32>
    %add3A_44 = arith.addf %select_n3A_38, %add3A_43 : vector<128xf32>
    %sqrt3A = math.sqrt %add3A_44 : vector<128xf32>
    %broadcast_in_dim3A_45 = vector.shape_cast %sqrt3A : vector<128xf32> to vector<1x128xf32>
    %div3A_46 = vector.broadcast %broadcast_in_dim3A_45 : vector<1x128xf32> to vector<10000x128xf32>
    %div3A_47 = arith.divf %sub3A_41, %div3A_46 : vector<10000x128xf32>
    %mul3A_48 = vector.broadcast %get3A_16 : vector<1x128xf32> to vector<10000x128xf32>
    %mul3A_49 = arith.mulf %div3A_47, %mul3A_48 : vector<10000x128xf32>
    %add3A_50 = vector.broadcast %get3A_19 : vector<1x128xf32> to vector<10000x128xf32>
    %add3A_51 = arith.addf %mul3A_49, %add3A_50 : vector<10000x128xf32>
    %swap3A = arith.constant 0 : index
    %swap3A_52 = arith.constant 0 : index
    %swap3A_53 = vector.load %arg5[%swap3A, %swap3A_52] : memref<10000x128xf32, #tpu.memory_space<vmem>>, vector<10000x128xf32>
    tpu.vector_store %arg5[%swap3A, %swap3A_52], %add3A_51 {strides = array<i32>} : memref<10000x128xf32, #tpu.memory_space<vmem>>, vector<10000x128xf32>,
    return
  }
}

module attributes {stable_mosaic.version = 14 : i64} {
  func.func @_tc2_body(%arg0: memref<2x10240x128xf32, #tpu.memory_space<vmem>>, %arg1: memref<2x10240x128xf32, #tpu.memory_space<vmem>>, %arg2: memref<10000x128xf32, #tpu.memory_space<vmem>>, %arg3: memref<128x128xf32, #tpu.memory_space<vmem>>, %arg4: memref<1x128xf32, #tpu.memory_space<vmem>>, %arg5: memref<128x128xf32, #tpu.memory_space<vmem>>, %arg6: memref<10000x128xf32, #tpu.memory_space<vmem>>) attributes {dimension_semantics = [], scalar_prefetch = 0 : i64, scratch_operands = 0 : i64, tpu.core_type = #tpu.core_type<tc>} {
    %get3A = arith.constant 0 : index
    %get3A_0 = arith.constant 0 : index
    %get3A_1 = arith.constant 0 : index
    %get3A_2 = vector.load %arg1[%get3A, %get3A_0, %get3A_1] : memref<2x10240x128xf32, #tpu.memory_space<vmem>>, vector<1x10000x1xf32>
    %get3A_3 = vector.shape_cast %get3A_2 : vector<1x10000x1xf32> to vector<10000x1xf32>
    %get3A_4 = arith.constant 1 : index
    %get3A_5 = arith.constant 0 : index
    %get3A_6 = arith.constant 0 : index
    %get3A_7 = vector.load %arg1[%get3A_4, %get3A_5, %get3A_6] : memref<2x10240x128xf32, #tpu.memory_space<vmem>>, vector<1x10000x1xf32>
    %get3A_8 = vector.shape_cast %get3A_7 : vector<1x10000x1xf32> to vector<10000x1xf32>
    %add3A = arith.addf %get3A_3, %get3A_8 : vector<10000x1xf32>
    %max3A = arith.constant 1.000000e+00 : f32
    %max3A_9 = vector.broadcast %max3A : f32 to vector<10000x1xf32>
    %max3A_10 = arith.maximumf %add3A, %max3A_9 : vector<10000x1xf32>
    %get3A_11 = arith.constant 0 : index
    %get3A_12 = arith.constant 0 : index
    %get3A_13 = arith.constant 0 : index
    %get3A_14 = vector.load %arg0[%get3A_11, %get3A_12, %get3A_13] : memref<2x10240x128xf32, #tpu.memory_space<vmem>>, vector<1x10000x128xf32>
    %get3A_15 = vector.shape_cast %get3A_14 : vector<1x10000x128xf32> to vector<10000x128xf32>
    %get3A_16 = arith.constant 1 : index
    %get3A_17 = arith.constant 0 : index
    %get3A_18 = arith.constant 0 : index
    %get3A_19 = vector.load %arg0[%get3A_16, %get3A_17, %get3A_18] : memref<2x10240x128xf32, #tpu.memory_space<vmem>>, vector<1x10000x128xf32>
    %get3A_20 = vector.shape_cast %get3A_19 : vector<1x10000x128xf32> to vector<10000x128xf32>
    %add3A_21 = arith.addf %get3A_15, %get3A_20 : vector<10000x128xf32>
    %div3A = vector.broadcast %max3A_10 : vector<10000x1xf32> to vector<10000x128xf32>
    %div3A_22 = arith.divf %add3A_21, %div3A : vector<10000x128xf32>
    %get3A_23 = arith.constant 0 : index
    %get3A_24 = arith.constant 0 : index
    %get3A_25 = vector.load %arg3[%get3A_23, %get3A_24] : memref<128x128xf32, #tpu.memory_space<vmem>>, vector<128x128xf32>
    %dot_general3A = arith.constant dense<0.000000e+00> : vector<10000x128xf32>
    %dot_general3A_26 = tpu.matmul %div3A_22, %get3A_25, %dot_general3A {dimension_numbers = #tpu.dot_dimension_numbers<[1], [1], [0], [0], [0, 0, 1, 0], [], []>, transpose_lhs_hint = false} : vector<10000x128xf32>, vector<128x128xf32>, vector<10000x128xf32> -> vector<10000x128xf32>
    %get3A_27 = arith.constant 0 : index
    %get3A_28 = arith.constant 0 : index
    %get3A_29 = vector.load %arg4[%get3A_27, %get3A_28] : memref<1x128xf32, #tpu.memory_space<vmem>>, vector<1x128xf32>
    %add3A_30 = vector.broadcast %get3A_29 : vector<1x128xf32> to vector<10000x128xf32>
    %add3A_31 = arith.addf %dot_general3A_26, %add3A_30 : vector<10000x128xf32>
    %get3A_32 = arith.constant 0 : index
    %get3A_33 = arith.constant 0 : index
    %get3A_34 = vector.load %arg2[%get3A_32, %get3A_33] : memref<10000x128xf32, #tpu.memory_space<vmem>>, vector<10000x128xf32>
    %get3A_35 = arith.constant 0 : index
    %get3A_36 = arith.constant 0 : index
    %get3A_37 = vector.load %arg5[%get3A_35, %get3A_36] : memref<128x128xf32, #tpu.memory_space<vmem>>, vector<128x128xf32>
    %dot_general3A_38 = arith.constant dense<0.000000e+00> : vector<10000x128xf32>
    %dot_general3A_39 = tpu.matmul %get3A_34, %get3A_37, %dot_general3A_38 {dimension_numbers = #tpu.dot_dimension_numbers<[1], [1], [0], [0], [0, 0, 1, 0], [], []>, transpose_lhs_hint = false} : vector<10000x128xf32>, vector<128x128xf32>, vector<10000x128xf32> -> vector<10000x128xf32>
    %add3A_40 = arith.addf %add3A_31, %dot_general3A_39 : vector<10000x128xf32>
    %mul3A = arith.mulf %add3A_40, %add3A_40 : vector<10000x128xf32>
    %reduce_sum3A = arith.constant dense<0.000000e+00> : vector<10000xf32>
    %reduce_sum3A_41 = vector.multi_reduction <add>, %mul3A, %reduce_sum3A [1] : vector<10000x128xf32> to vector<10000xf32>
    %broadcast_in_dim3A = vector.shape_cast %reduce_sum3A_41 : vector<10000xf32> to vector<10000x1xf32>
    %sqrt3A = math.sqrt %broadcast_in_dim3A : vector<10000x1xf32>
    %max3A_42 = arith.constant 9.99999996E-13 : f32
    %max3A_43 = vector.broadcast %max3A_42 : f32 to vector<10000x1xf32>
    %max3A_44 = arith.maximumf %sqrt3A, %max3A_43 : vector<10000x1xf32>
    %div3A_45 = vector.broadcast %max3A_44 : vector<10000x1xf32> to vector<10000x128xf32>
    %div3A_46 = arith.divf %add3A_40, %div3A_45 : vector<10000x128xf32>
    %ge3A = arith.constant 0.000000e+00 : f32
    %ge3A_47 = vector.broadcast %ge3A : f32 to vector<10000x128xf32>
    %ge3A_48 = arith.cmpf oge, %div3A_46, %ge3A_47 : vector<10000x128xf32>
    %mul3A_49 = arith.constant 2.000000e-01 : f32
    %mul3A_50 = vector.broadcast %mul3A_49 : f32 to vector<10000x128xf32>
    %mul3A_51 = arith.mulf %mul3A_50, %div3A_46 : vector<10000x128xf32>
    %select_n3A = arith.select %ge3A_48, %div3A_46, %mul3A_51 : vector<10000x128xi1>, vector<10000x128xf32>
    %swap3A = arith.constant 0 : index
    %swap3A_52 = arith.constant 0 : index
    %swap3A_53 = vector.load %arg6[%swap3A, %swap3A_52] : memref<10000x128xf32, #tpu.memory_space<vmem>>, vector<10000x128xf32>
    tpu.vector_store %arg6[%swap3A, %swap3A_52], %select_n3A {strides = array<i32>} : memref<10000x128xf32, #tpu.memory_space<vmem>>, vector<10000x128xf32>,
    return
  }
}

module attributes {stable_mosaic.version = 14 : i64} {
  func.func @_tc3_body(%arg0: memref<2x10240x128xf32, #tpu.memory_space<vmem>>, %arg1: memref<2x10240x128xf32, #tpu.memory_space<vmem>>, %arg2: memref<10000x128xf32, #tpu.memory_space<vmem>>, %arg3: memref<128x128xf32, #tpu.memory_space<vmem>>, %arg4: memref<1x128xf32, #tpu.memory_space<vmem>>, %arg5: memref<128x128xf32, #tpu.memory_space<vmem>>, %arg6: memref<10000x128xf32, #tpu.memory_space<vmem>>, %arg7: memref<128x128xf32, #tpu.memory_space<vmem>>, %arg8: memref<1x128xf32, #tpu.memory_space<vmem>>, %arg9: memref<1x128xf32, #tpu.memory_space<vmem>>, %arg10: memref<1x128xf32, #tpu.memory_space<vmem>>, %arg11: memref<10000x128xf32, #tpu.memory_space<vmem>>) attributes {dimension_semantics = [], scalar_prefetch = 0 : i64, scratch_operands = 0 : i64, tpu.core_type = #tpu.core_type<tc>} {
    %get3A = arith.constant 0 : index
    %get3A_0 = arith.constant 0 : index
    %get3A_1 = arith.constant 0 : index
    %get3A_2 = vector.load %arg1[%get3A, %get3A_0, %get3A_1] : memref<2x10240x128xf32, #tpu.memory_space<vmem>>, vector<1x10000x1xf32>
    %get3A_3 = vector.shape_cast %get3A_2 : vector<1x10000x1xf32> to vector<10000x1xf32>
    %get3A_4 = arith.constant 1 : index
    %get3A_5 = arith.constant 0 : index
    %get3A_6 = arith.constant 0 : index
    %get3A_7 = vector.load %arg1[%get3A_4, %get3A_5, %get3A_6] : memref<2x10240x128xf32, #tpu.memory_space<vmem>>, vector<1x10000x1xf32>
    %get3A_8 = vector.shape_cast %get3A_7 : vector<1x10000x1xf32> to vector<10000x1xf32>
    %add3A = arith.addf %get3A_3, %get3A_8 : vector<10000x1xf32>
    %max3A = arith.constant 1.000000e+00 : f32
    %max3A_9 = vector.broadcast %max3A : f32 to vector<10000x1xf32>
    %max3A_10 = arith.maximumf %add3A, %max3A_9 : vector<10000x1xf32>
    %get3A_11 = arith.constant 0 : index
    %get3A_12 = arith.constant 0 : index
    %get3A_13 = arith.constant 0 : index
    %get3A_14 = vector.load %arg0[%get3A_11, %get3A_12, %get3A_13] : memref<2x10240x128xf32, #tpu.memory_space<vmem>>, vector<1x10000x128xf32>
    %get3A_15 = vector.shape_cast %get3A_14 : vector<1x10000x128xf32> to vector<10000x128xf32>
    %get3A_16 = arith.constant 1 : index
    %get3A_17 = arith.constant 0 : index
    %get3A_18 = arith.constant 0 : index
    %get3A_19 = vector.load %arg0[%get3A_16, %get3A_17, %get3A_18] : memref<2x10240x128xf32, #tpu.memory_space<vmem>>, vector<1x10000x128xf32>
    %get3A_20 = vector.shape_cast %get3A_19 : vector<1x10000x128xf32> to vector<10000x128xf32>
    %add3A_21 = arith.addf %get3A_15, %get3A_20 : vector<10000x128xf32>
    %div3A = vector.broadcast %max3A_10 : vector<10000x1xf32> to vector<10000x128xf32>
    %div3A_22 = arith.divf %add3A_21, %div3A : vector<10000x128xf32>
    %get3A_23 = arith.constant 0 : index
    %get3A_24 = arith.constant 0 : index
    %get3A_25 = vector.load %arg3[%get3A_23, %get3A_24] : memref<128x128xf32, #tpu.memory_space<vmem>>, vector<128x128xf32>
    %dot_general3A = arith.constant dense<0.000000e+00> : vector<10000x128xf32>
    %dot_general3A_26 = tpu.matmul %div3A_22, %get3A_25, %dot_general3A {dimension_numbers = #tpu.dot_dimension_numbers<[1], [1], [0], [0], [0, 0, 1, 0], [], []>, transpose_lhs_hint = false} : vector<10000x128xf32>, vector<128x128xf32>, vector<10000x128xf32> -> vector<10000x128xf32>
    %get3A_27 = arith.constant 0 : index
    %get3A_28 = arith.constant 0 : index
    %get3A_29 = vector.load %arg4[%get3A_27, %get3A_28] : memref<1x128xf32, #tpu.memory_space<vmem>>, vector<1x128xf32>
    %add3A_30 = vector.broadcast %get3A_29 : vector<1x128xf32> to vector<10000x128xf32>
    %add3A_31 = arith.addf %dot_general3A_26, %add3A_30 : vector<10000x128xf32>
    %get3A_32 = arith.constant 0 : index
    %get3A_33 = arith.constant 0 : index
    %get3A_34 = vector.load %arg2[%get3A_32, %get3A_33] : memref<10000x128xf32, #tpu.memory_space<vmem>>, vector<10000x128xf32>
    %get3A_35 = arith.constant 0 : index
    %get3A_36 = arith.constant 0 : index
    %get3A_37 = vector.load %arg5[%get3A_35, %get3A_36] : memref<128x128xf32, #tpu.memory_space<vmem>>, vector<128x128xf32>
    %dot_general3A_38 = arith.constant dense<0.000000e+00> : vector<10000x128xf32>
    %dot_general3A_39 = tpu.matmul %get3A_34, %get3A_37, %dot_general3A_38 {dimension_numbers = #tpu.dot_dimension_numbers<[1], [1], [0], [0], [0, 0, 1, 0], [], []>, transpose_lhs_hint = false} : vector<10000x128xf32>, vector<128x128xf32>, vector<10000x128xf32> -> vector<10000x128xf32>
    %add3A_40 = arith.addf %add3A_31, %dot_general3A_39 : vector<10000x128xf32>
    %mul3A = arith.mulf %add3A_40, %add3A_40 : vector<10000x128xf32>
    %reduce_sum3A = arith.constant dense<0.000000e+00> : vector<10000xf32>
    %reduce_sum3A_41 = vector.multi_reduction <add>, %mul3A, %reduce_sum3A [1] : vector<10000x128xf32> to vector<10000xf32>
    %broadcast_in_dim3A = vector.shape_cast %reduce_sum3A_41 : vector<10000xf32> to vector<10000x1xf32>
    %sqrt3A = math.sqrt %broadcast_in_dim3A : vector<10000x1xf32>
    %max3A_42 = arith.constant 9.99999996E-13 : f32
    %max3A_43 = vector.broadcast %max3A_42 : f32 to vector<10000x1xf32>
    %max3A_44 = arith.maximumf %sqrt3A, %max3A_43 : vector<10000x1xf32>
    %div3A_45 = vector.broadcast %max3A_44 : vector<10000x1xf32> to vector<10000x128xf32>
    %div3A_46 = arith.divf %add3A_40, %div3A_45 : vector<10000x128xf32>
    %get3A_47 = arith.constant 0 : index
    %get3A_48 = arith.constant 0 : index
    %get3A_49 = vector.load %arg6[%get3A_47, %get3A_48] : memref<10000x128xf32, #tpu.memory_space<vmem>>, vector<10000x128xf32>
    %get3A_50 = arith.constant 0 : index
    %get3A_51 = arith.constant 0 : index
    %get3A_52 = vector.load %arg7[%get3A_50, %get3A_51] : memref<128x128xf32, #tpu.memory_space<vmem>>, vector<128x128xf32>
    %dot_general3A_53 = arith.constant dense<0.000000e+00> : vector<10000x128xf32>
    %dot_general3A_54 = tpu.matmul %get3A_49, %get3A_52, %dot_general3A_53 {dimension_numbers = #tpu.dot_dimension_numbers<[1], [1], [0], [0], [0, 0, 1, 0], [], []>, transpose_lhs_hint = false} : vector<10000x128xf32>, vector<128x128xf32>, vector<10000x128xf32> -> vector<10000x128xf32>
    %add3A_55 = arith.addf %div3A_46, %dot_general3A_54 : vector<10000x128xf32>
    %get3A_56 = arith.constant 0 : index
    %get3A_57 = arith.constant 0 : index
    %get3A_58 = vector.load %arg8[%get3A_56, %get3A_57] : memref<1x128xf32, #tpu.memory_space<vmem>>, vector<1x128xf32>
    %add3A_59 = vector.broadcast %get3A_58 : vector<1x128xf32> to vector<10000x128xf32>
    %add3A_60 = arith.addf %add3A_55, %add3A_59 : vector<10000x128xf32>
    %get3A_61 = arith.constant 0 : index
    %get3A_62 = arith.constant 0 : index
    %get3A_63 = vector.load %arg9[%get3A_61, %get3A_62] : memref<1x128xf32, #tpu.memory_space<vmem>>, vector<1x128xf32>
    %get3A_64 = arith.constant 0 : index
    %get3A_65 = arith.constant 0 : index
    %get3A_66 = vector.load %arg10[%get3A_64, %get3A_65] : memref<1x128xf32, #tpu.memory_space<vmem>>, vector<1x128xf32>
    %reduce_sum3A_67 = arith.constant dense<0.000000e+00> : vector<128xf32>
    %reduce_sum3A_68 = vector.multi_reduction <add>, %add3A_60, %reduce_sum3A_67 [0] : vector<10000x128xf32> to vector<128xf32>
    %div3A_69 = arith.constant 1.000000e+04 : f32
    %div3A_70 = vector.broadcast %div3A_69 : f32 to vector<128xf32>
    %div3A_71 = arith.divf %reduce_sum3A_68, %div3A_70 : vector<128xf32>
    %jit3A = arith.constant 0 : i32
    %reduce_sum3A_72 = arith.constant dense<0.000000e+00> : vector<128xf32>
    %reduce_sum3A_73 = vector.multi_reduction <add>, %add3A_60, %reduce_sum3A_72 [0] : vector<10000x128xf32> to vector<128xf32>
    %broadcast_in_dim3A_74 = vector.shape_cast %reduce_sum3A_73 : vector<128xf32> to vector<1x128xf32>
    %div3A_75 = arith.constant 1.000000e+04 : f32
    %div3A_76 = vector.broadcast %div3A_75 : f32 to vector<1x128xf32>
    %div3A_77 = arith.divf %broadcast_in_dim3A_74, %div3A_76 : vector<1x128xf32>
    %sub3A = vector.broadcast %div3A_77 : vector<1x128xf32> to vector<10000x128xf32>
    %sub3A_78 = arith.subf %add3A_60, %sub3A : vector<10000x128xf32>
    %square3A = arith.mulf %sub3A_78, %sub3A_78 : vector<10000x128xf32>
    %convert_element_type3A = arith.sitofp %jit3A : i32 to f32
    %sub3A_79 = arith.constant 1.000000e+04 : f32
    %sub3A_80 = arith.subf %sub3A_79, %convert_element_type3A : f32
    %reduce_sum3A_81 = arith.constant dense<0.000000e+00> : vector<128xf32>
    %reduce_sum3A_82 = vector.multi_reduction <add>, %square3A, %reduce_sum3A_81 [0] : vector<10000x128xf32> to vector<128xf32>
    %div3A_83 = vector.broadcast %sub3A_80 : f32 to vector<128xf32>
    %div3A_84 = arith.divf %reduce_sum3A_82, %div3A_83 : vector<128xf32>
    %gt3A = arith.constant 0.000000e+00 : f32
    %gt3A_85 = arith.cmpf ogt, %sub3A_80, %gt3A : f32
    %jit3A_86 = arith.constant 0x7FC00000 : f32
    %broadcast_in_dim3A_87 = vector.broadcast %jit3A_86 : f32 to vector<128xf32>
    %select_n3A = arith.select %gt3A_85, %div3A_84, %broadcast_in_dim3A_87 : vector<128xf32>
    %broadcast_in_dim3A_88 = vector.shape_cast %div3A_71 : vector<128xf32> to vector<1x128xf32>
    %sub3A_89 = vector.broadcast %broadcast_in_dim3A_88 : vector<1x128xf32> to vector<10000x128xf32>
    %sub3A_90 = arith.subf %add3A_60, %sub3A_89 : vector<10000x128xf32>
    %add3A_91 = arith.constant 9.99999974E-6 : f32
    %add3A_92 = vector.broadcast %add3A_91 : f32 to vector<128xf32>
    %add3A_93 = arith.addf %select_n3A, %add3A_92 : vector<128xf32>
    %sqrt3A_94 = math.sqrt %add3A_93 : vector<128xf32>
    %broadcast_in_dim3A_95 = vector.shape_cast %sqrt3A_94 : vector<128xf32> to vector<1x128xf32>
    %div3A_96 = vector.broadcast %broadcast_in_dim3A_95 : vector<1x128xf32> to vector<10000x128xf32>
    %div3A_97 = arith.divf %sub3A_90, %div3A_96 : vector<10000x128xf32>
    %mul3A_98 = vector.broadcast %get3A_63 : vector<1x128xf32> to vector<10000x128xf32>
    %mul3A_99 = arith.mulf %div3A_97, %mul3A_98 : vector<10000x128xf32>
    %add3A_100 = vector.broadcast %get3A_66 : vector<1x128xf32> to vector<10000x128xf32>
    %add3A_101 = arith.addf %mul3A_99, %add3A_100 : vector<10000x128xf32>
    %mul3A_102 = arith.mulf %add3A_101, %add3A_101 : vector<10000x128xf32>
    %reduce_sum3A_103 = arith.constant dense<0.000000e+00> : vector<10000xf32>
    %reduce_sum3A_104 = vector.multi_reduction <add>, %mul3A_102, %reduce_sum3A_103 [1] : vector<10000x128xf32> to vector<10000xf32>
    %broadcast_in_dim3A_105 = vector.shape_cast %reduce_sum3A_104 : vector<10000xf32> to vector<10000x1xf32>
    %sqrt3A_106 = math.sqrt %broadcast_in_dim3A_105 : vector<10000x1xf32>
    %max3A_107 = arith.constant 9.99999996E-13 : f32
    %max3A_108 = vector.broadcast %max3A_107 : f32 to vector<10000x1xf32>
    %max3A_109 = arith.maximumf %sqrt3A_106, %max3A_108 : vector<10000x1xf32>
    %div3A_110 = vector.broadcast %max3A_109 : vector<10000x1xf32> to vector<10000x128xf32>
    %div3A_111 = arith.divf %add3A_101, %div3A_110 : vector<10000x128xf32>
    %swap3A = arith.constant 0 : index
    %swap3A_112 = arith.constant 0 : index
    %swap3A_113 = vector.load %arg11[%swap3A, %swap3A_112] : memref<10000x128xf32, #tpu.memory_space<vmem>>, vector<10000x128xf32>
    tpu.vector_store %arg11[%swap3A, %swap3A_112], %div3A_111 {strides = array<i32>} : memref<10000x128xf32, #tpu.memory_space<vmem>>, vector<10000x128xf32>,
    return
  }
}

</mosaic_0001>

<sc_bundles>
// kernel: kernel.11.cloned.1.call-start
scs
__scs_entry_jumppad:
0x0: {  	(pc) =	sbr.rel $0x88, $3  }
0x1: {  	(tag) =	ssettag $0x0;
	lr =	simm.s32 $0x1  }
0x2: {  	[smem:$0x3F91] =	sst lr;
	_ =	strace $0xD0000000  }
0x3: {  	_ = 	snop  }
0x4: {  	_ = 	snop  }
0x5: {  	_ = 	snop  }
0x6: {  	_ = 	snop  }
0x7: {  	_ = 	snop  }
__scs_overlays_trampoline_lowered:
0x8: {  	[smem:$0x3FA0] =	sst s0  }
0x9: {  	[smem:$0x3FA1] =	sst s1  }
0xa: {  	[smem:$0x3FA2] =	sst s2  }
0xb: {  	[smem:$0x3FA3] =	sst s3  }
0xc: {  	[smem:$0x3FA4] =	sst s4  }
0xd: {  	[smem:$0x3FA5] =	sst s5  }
0xe: {  	[smem:$0x3FA6] =	sst s6  }
0xf: {  	[smem:$0x3FA7] =	sst s7  }
0x10: {  	[smem:$0x3FA8] =	sst s8  }
0x11: {  	[smem:$0x3FA9] =	sst s9;
	s0 =	simm.s32 @!p0 $0x0  }
0x12: {  	s1 =	sld [smem:$0x3F8F];
	s0 =	simm.s32 @p0 $0x1  }
0x13: {  	[smem:$0x3FAA] =	sst s0;
	s0 =	simm.s32 @!p1 $0x0  }
0x14: {  	s2 =	sld [smem:$0x3F8E];
	s0 =	simm.s32 @p1 $0x1  }
0x15: {  	[smem:$0x3FAB] =	sst s0;
	s0 =	simm.s32 @!p2 $0x0  }
0x16: {  	s3 =	sld [smem:$0x3FDB];
	s0 =	simm.s32 @p2 $0x1  }
0x17: {  	s4 =	simm.s32 $0x1BF5;
	[smem:$0x3FAD] =	sst s0  }
0x18: {  	s0 =	sld [smem:$0x3F90];
	_ =	swait.ge [sflag:s4], $0x0  }
0x19: {  	s7 =	sld [smem:$0x3F91]  }
0x1a: {  	s8 =	sadd.s32 $0xFFFFE003, lr  }
0x1b: {  	s9 =	sadd.s32 $0xFFFFFEF7, lr;
	s5 =	simm.s32 $0xFFFFFFFF;
	p2 =	slt.u32 s8, $0xFFFFF086  }
0x1c: {  	p1 =	slt.u32 s9, $0xF7A;
	s5 =	simm.s32 @!p2 $0x0  }
0x1d: {  	s5 =	simm.s32 @p1 $0x1;
	p0 =	seq.s32 s7, s2  }
0x1e: {  	s7 =	smul.u32 @!p0 $0xF7A, s2;
	p2 =	seq.s32 @!p0 s5, $0x0  }
0x1f: {  	s9 =	smul.u32 $0xF7A, s1;
	s8 =	simm.s32 @!p0 $0x1BF5;
	p2 =	por !p2, p0  }
0x20: {  	[sflag:s8] =	ssyncset.s32 @!p0 $0xFFFFF086;
	s6 =	sadd.s32 @!p0 s3, s7;
	s7 =	simm.s32 @!p0 $0x108  }
0x21: {  	s3 =	sadd.s32 s3, s9;
	s6 =	sadd.s32 @!p0 $0x88, s6;
	s7 =	simm.s32 @p2 $0x1082  }
0x22: {  	[simem:s7], [sflag:s8] =	dma.local @!p0 [hbm:s6], $0xF7A  }
0x23: {  	s9 =	sor.u32 $0xD0000000, s2;
	s6 =	simm.s32 $0x108;
	_ =	swait.ge @!p0 [sflag:s8], $0x0  }
0x24: {  	s3 =	sadd.s32 $0x88, s3;
	s6 =	simm.s32 @!p1 $0x1082;
	[sflag:s4] =	ssyncset.s32 $0xFFFFF086  }
0x25: {  	[simem:s6], [sflag:s4] =	dma.local [hbm:s3], $0xF7A  }
0x26: {  	[smem:$0x3F91] =	sst s1;
	(tag) =	ssettag s2;
	_ =	strace s9  }
0x27: {  	s1 =	sld [smem:$0x3FA1]  }
0x28: {  	s2 =	sld [smem:$0x3FA2]  }
0x29: {  	s4 =	sld [smem:$0x3FA4]  }
0x2a: {  	p0 =	seq.s32 s5, $0x0;
	s5 =	sld [smem:$0x3FA5]  }
0x2b: {  	s6 =	sld [smem:$0x3FA6]  }
0x2c: {  	s7 =	sld [smem:$0x3FA7]  }
0x2d: {  	s3 =	simm.s32 $0x108;
	s8 =	sld [smem:$0x3FA8]  }
0x2e: {  	s3 =	simm.s32 @!p0 $0x1082;
	s9 =	sld [smem:$0x3FA9]  }
0x2f: {  	lr =	sadd.s32 s0, s3;
	s0 =	sld [smem:$0x3FA0]  }
0x30: {  	s3 =	sld [smem:$0x3FA3]  }
0x31: {  	[smem:$0x3FAC] =	sst s10  }
0x32: {  	s10 =	sld [smem:$0x3FAA];
	_ =	sdelay $0x3  }
0x33: {  	p0 =	seq.s32 s10, $0x1;
	s10 =	sld [smem:$0x3FAC];
	_ =	sdelay $0x3  }
0x34: {  	[smem:$0x3FAC] =	sst s10  }
0x35: {  	s10 =	sld [smem:$0x3FAB];
	_ =	sdelay $0x3  }
0x36: {  	p1 =	seq.s32 s10, $0x1;
	s10 =	sld [smem:$0x3FAC];
	_ =	sdelay $0x3  }
0x37: {  	[smem:$0x3FAC] =	sst s10  }
0x38: {  	s10 =	sld [smem:$0x3FAD]  }
0x39: {  	_ = 	snop;
	(pc) =	sbr.ind lr, $3  }
0x3a: {  	_ = 	snop  }
0x3b: {  	_ = 	snop  }
0x3c: {  	p2 =	seq.s32 s10, $0x1;
	s10 =	sld [smem:$0x3FAC]  }
0x3d: {  	_ =	shalt  }
0x3e: {  	_ =	shalt  }
0x3f: {  	_ =	shalt  }
0x40: {  	_ =	shalt  }
0x41: {  	_ =	shalt  }
0x42: {  	_ =	shalt  }
0x43: {  	_ =	shalt  }
0x44: {  	_ =	shalt  }
0x45: {  	_ =	shalt  }
0x46: {  	_ =	shalt  }
0x47: {  	_ =	shalt  }
0x48: {  	_ =	shalt  }
0x49: {  	_ =	shalt  }
0x4a: {  	_ =	shalt  }
0x4b: {  	_ =	shalt  }
0x4c: {  	_ =	shalt  }
0x4d: {  	_ =	shalt  }
0x4e: {  	_ =	shalt  }
0x4f: {  	_ =	shalt  }
0x50: {  	_ =	shalt  }
0x51: {  	_ =	shalt  }
0x52: {  	_ =	shalt  }
0x53: {  	_ =	shalt  }
0x54: {  	_ =	shalt  }
0x55: {  	_ =	shalt  }
0x56: {  	_ =	shalt  }
0x57: {  	_ =	shalt  }
0x58: {  	_ =	shalt  }
0x59: {  	_ =	shalt  }
0x5a: {  	_ =	shalt  }
0x5b: {  	_ =	shalt  }
0x5c: {  	_ =	shalt  }
0x5d: {  	_ =	shalt  }
0x5e: {  	_ =	shalt  }
0x5f: {  	_ =	shalt  }
0x60: {  	_ =	shalt  }
0x61: {  	_ =	shalt  }
0x62: {  	_ =	shalt  }
0x63: {  	_ =	shalt  }
0x64: {  	_ =	shalt  }
0x65: {  	_ =	shalt  }
0x66: {  	_ =	shalt  }
0x67: {  	_ =	shalt  }
0x68: {  	_ =	shalt  }
0x69: {  	_ =	shalt  }
0x6a: {  	_ =	shalt  }
0x6b: {  	_ =	shalt  }
0x6c: {  	_ =	shalt  }
0x6d: {  	_ =	shalt  }
0x6e: {  	_ =	shalt  }
0x6f: {  	_ =	shalt  }
0x70: {  	_ =	shalt  }
0x71: {  	_ =	shalt  }
0x72: {  	_ =	shalt  }
0x73: {  	_ =	shalt  }
0x74: {  	_ =	shalt  }
0x75: {  	_ =	shalt  }
0x76: {  	_ =	shalt  }
0x77: {  	_ =	shalt  }
0x78: {  	_ =	shalt  }
0x79: {  	_ =	shalt  }
0x7a: {  	_ =	shalt  }
0x7b: {  	_ =	shalt  }
0x7c: {  	_ =	shalt  }
0x7d: {  	_ =	shalt  }
0x7e: {  	_ =	shalt  }
0x7f: {  	_ =	shalt  }
0x80: {  	_ =	shalt  }
0x81: {  	_ =	shalt  }
0x82: {  	_ =	shalt  }
0x83: {  	_ =	shalt  }
0x84: {  	_ =	shalt  }
0x85: {  	_ =	shalt  }
0x86: {  	_ =	shalt  }
0x87: {  	_ =	shalt  }
.Lfunc_end0:
.L_simem_size_0:
called_computation.1_lowered:
.L_overlay_start_0:
0x88: {  	s2 =	sld [smem:$0x3FD9]  }
0x89: {  	s3 =	sld [smem:$0x3FFE];
	_ =	sdelay $0x1  }
0x8a: {  	s1 =	srdreg.scid  }
0x8b: {  	s0 =	sand.u32 $0x1, s1  }
0x8c: {  	s17 =	sshll.u32 s0, $0xA;
	s2 =	sadd.s32 s3, s2  }
0x8d: {  	s2 =	sadd.s32 s2, s17  }
0x8e: {  	[smem:$0x3FB8] =	sst s2  }
0x8f: {  	_ = 	snop  }
0x90: {  	s18 =	sld [smem:$0x3FD0];
	(tm) =	ssettm $0x1  }
0x91: {  	s19 =	sld [smem:$0x3FFB];
	_ =	sdelay $0x3  }
0x92: {  	_ =	strace s19  }
0x93: {  	s2 =	sld [smem:$0x3FFC];
	_ =	sdelay $0x3  }
0x94: {  	_ =	strace s2  }
0x95: {  	s2 =	sld [smem:$0x3FFD];
	_ =	sdelay $0x3  }
0x96: {  	_ =	strace s2  }
0x97: {  	_ =	strace $0x8FFFFFFF  }
0x98: {  	s20 =	sld [smem:$0x3FDB];
	_ =	sdelay $0x1  }
0x99: {  	s4 =	simm.s32 $_scs_section_size  }
0x9a: {  	s5 =	simm.s32 $_size__tile_overlayer_lowered;
	s6 =	simm.s32 $_tile_overlayer_lowered  }
0x9b: {  	s7 =	simm.s32 $0x1BFF;
	s21 =	sshll.u32 s6, $0x1;
	s4 =	sadd.s32 s4, s20  }
0x9c: {  	s22 =	simm.s32 $0x0;
	s5 =	sshll.u32 s5, $0x1;
	s6 =	sadd.s32 s21, s4  }
0x9d: {  	[timem:s22], [sflag:s7] =	dma.local [hbm:s6], s5  }
0x9e: {  	_ =	swait.ge [sflag:s7], s5  }
0x9f: {  	s5 =	ssub.s32 $0x0, s5;
	[sflag:s7] =	ssyncset.done $0x0  }
0xa0: {  	[sflag:s7] =	ssyncadd.s32 s5;
	_ =	sdelay $0x1  }
0xa1: {  	s23 =	simm.s32 $0x1B8B  }
0xa2: {  	_ =	swait.ge [sflag:s23], $0x1  }
0xa3: {  	[sflag:s23] =	ssyncset.done $0x0  }
0xa4: {  	[sflag:s23] =	ssyncadd.s32 $0xFFFFFFFF  }
0xa5: {  	s5 =	sld [smem:$0x0]  }
0xa6: {  	s6 =	sand.u32 $0xFFFFFFFE, s1  }
0xa7: {  	p0 =	sne.s32 s1, s6  }
0xa8: {  	s6 =	sshll.u32 @p0 s6, $0xE  }
0xa9: {  	s6 =	sadd.s32 @p0 $0x11B8D, s6;
	s7 =	sshll.u32 @p0 s5, $0x11  }
0xaa: {  	s6 =	sor.u32 @p0 s7, s6  }
0xab: {  	[sflag:s6] =	ssyncadd.remote.s32 @p0 $0x1;
	_ =	sdelay $0x1  }
0xac: {  	s6 =	simm.s32 @p0 $0x1B8D  }
0xad: {  	_ =	swait.eq @p0 [sflag:s6], $0x1  }
0xae: {  	[sflag:s6] =	ssyncadd.s32 @p0 $0xFFFFFFFF  }
0xaf: {  	s7 =	sshll.u32 @!p0 s1, $0xE  }
0xb0: {  	s7 =	sor.u32 @!p0 $0x4000, s7;
	s6 =	simm.s32 @!p0 $0x1B8D  }
0xb1: {  	s5 =	sshll.u32 @!p0 s5, $0x11;
	s7 =	sadd.s32 @!p0 $0x11B8D, s7;
	_ =	swait.eq @!p0 [sflag:s6], $0x1  }
0xb2: {  	s5 =	sor.u32 @!p0 s5, s7;
	[sflag:s6] =	ssyncadd.s32 @!p0 $0xFFFFFFFF  }
0xb3: {  	s25 =	simm.s32 $0x1B8E;
	s24 =	sld [smem:$0x3FFE];
	[sflag:s5] =	ssyncadd.remote.s32 @!p0 $0x1  }
0xb4: {  	s26 =	simm.s32 $execute0_lowered;
	[smem:$0x3FD2] =	sst s25  }
0xb5: {  	s6 =	sshll.u32 s26, $0x1;
	_ =	strace $0x80000049;
	[dreg:$0x1] =	wrdreg $0xFFFFFFFF  }
0xb6: {  	s28 =	simm.s32 $_size_execute0_lowered;
	s4 =	sadd.s32 s4, s6;
	[dreg:$0x0] =	wrdreg $0x0  }
0xb7: {  	s6 =	sshll.u32 s28, $0x1;
	[dreg:$0x2] =	wrdreg s4  }
0xb8: {  	[dreg:$0x3] =	wrdreg s6  }
0xb9: {  	[dreg:$0x4] =	wrdreg $0xC0  }
0xba: {  	_ =	task [dreg:s22], $0x5FFFF  }
0xbb: {  	[dreg:$0x1] =	wrdreg $0xFFFFFFFF  }
0xbc: {  	[dreg:$0x0] =	wrdreg $0x60  }
0xbd: {  	[dreg:$0x2] =	wrdreg s18  }
0xbe: {  	[dreg:$0x3] =	wrdreg s24  }
0xbf: {  	[dreg:$0x4] =	wrdreg $0x82000  }
0xc0: {  	[dreg:$0x5] =	wrdreg $0xA  }
0xc1: {  	_ =	task.clear_ibuf [dreg:s22], $0x6FFFF;
	_ =	strace $0x90000049  }
0xc2: {  	s29 =	simm.s32 $0xA;
	_ =	strace $0x8000004B  }
0xc3: {  	_ =	swait.ge [sflag:s29], $0x1  }
0xc4: {  	[sflag:s29] =	ssyncadd.s32 $0xFFFFFFFF  }
0xc5: {  	_ =	strace $0x9000004B  }
0xc6: {  	_ =	sfence  }
0xc7: {  	s30 =	sld [smem:$0x0];
	_ =	sdelay $0x2  }
0xc8: {  	s31 =	sshll.u32 s1, $0xD;
	s1 =	sshrl.u32 s1, $0x2  }
0xc9: {  	s4 =	sand.u32 $0x4000, s31;
	s1 =	sadd.s32 s1, s30  }
0xca: {  	s0 =	sor.u32 s4, s0;
	s1 =	sshll.u32 s1, $0x11  }
0xcb: {  	s0 =	sor.u32 s1, s0  }
0xcc: {  	s0 =	sadd.s32 $0x8F2B, s0  }
0xcd: {  	[sflag:s0] =	ssyncadd.remote.s32 $0x1  }
0xce: {  	_ =	sfence.sel $0xFFFF  }
0xcf: {  	[dreg:$0x0] =	wrdreg $0xFFFFFFFF;
	(pc) =	sbr.abs _section_cstart, $3  }
0xd0: {  	[dreg:$0x1] =	wrdreg $0xFFFFFFFF  }
0xd1: {  	_ =	task.clear_ibuf [dreg:s22], $0x2FFFF;
	_ =	strace $0x9FFFFFFF  }
0xd2: {  	(tm) =	ssettm $0x7FFFFFFF  }
0xd3: {  	_ =	shalt  }
tec
execute0_lowered:
.L_overlay_start_1:
0x0: {  	(tag) =	ssettag $0x1  }
0x1: {  	s2 =	rddreg [dreg:$0x0]  }
0x2: {  	s7 =	rddreg [dreg:$0x1]  }
0x3: {  	s3 =	rddreg [dreg:$0x2]  }
0x4: {  	s0 =	stileid.u32;
	s5 =	srdreg.scid  }
0x5: {  	s4 =	simm.s32 $0x0;
	s17 =	simm.s32 $0x3;
	s18 =	simm.s32 $0x100  }
0x6: {  	s19 =	simm.s32 $0x80;
	s20 =	simm.s32 $0x200;
	s8 =	smul.u32 $0x14000, s0  }
0x7: {  	s21 =	simm.s32 $0x0;
	s9 =	sand.u32 $0x1, s5;
	s11 =	smul.u32 $0x50000, s0  }
0x8: {  	[smem:$0x7FF] =	sst s4;
	s5 =	sadd.s32 $0x8F200, s7;
	s13 =	smul.u32 $0x2C00, s0  }
0x9: {  	s6 =	sadd.s32 $0x85400, s7;
	s31 =	sshll.u32 s0, $0x6;
	s10 =	smul.u32 $0x140000, s9  }
0xa: {  	_ =	strace $0x8000004A;
	s29 =	ssub.s32 $0x2, s9;
	p0 =	seq.s32 s9, $0x0  }
0xb: {  	s30 =	sshrl.u32 s29, $0x1;
	s11 =	sshrl.u32 s11, $0x2;
	s10 =	sadd.s32 s8, s10  }
0xc: {  	s9 =	sadd.s32 $0x23000, s13;
	s8 =	sshrl.u32 s8, $0x3;
	s10 =	sshrl.u32 s10, $0x3  }
0xd: {  	s14 =	ssub.s32 s29, s30;
	s12 =	sadd.s32 s10, s7;
	s10 =	smul.u32 $0x2300, s0  }
0xe: {  	s16 =	sadd.s32 s11, s3;
	s8 =	sadd.s32 s8, s7;
	s13 =	smax.u32 s14, $0x1  }
0xf: {  	s7 =	sadd.s32 $0xD400, s8;
	s8 =	simm.s32 $0x58;
	s10 =	smov.u32 @p0 s9  }
0x10: {  	s16 =	sshrl.u32 s16, $0x3;
	s8 =	simm.s32 @!p0 $0x46;
	s15 =	sshrl.u32 s10, $0x3  }
0x11: {  	s12 =	sadd.s32 $0x99000, s12;
	s9 =	sor.u32 $0x1C03, s31;
	s10 =	sadd.s32 s5, s15  }
0x12: {  	s11 =	sadd.s32 s6, s15;
	s14 =	sor.u32 $0x10, s15;
	s15 =	sadd.s32 $0x20, s15  }
.LBB2_1:
0x13: {  	[spmem:s16], [sflag:s9] =	dma.local [hbm:s7], $0x2800  }
0x14: {  	_ =	swait.ge [sflag:s17], $0x2800  }
0x15: {  	[sflag:s17] =	ssyncset.done $0x0  }
0x16: {  	[sflag:s17] =	ssyncadd.s32 $0xFFFFD800  }
0x17: {  	[bflag:$0x0] =	sbarrier.arrive $0xFFFF  }
0x18: {  	[tilespmem:s4], [sflag:$0x3] =	stream.linear.gather [hbm4b:s10+s4], $0x80, $0x38;
	[tilespmem:$0x1C200] =	vst v63  }
0x19: {  	_ =	swait.ge [sflag:s17], $0x80  }
0x1a: {  	[sflag:s17] =	ssyncset.done $0x0  }
0x1b: {  	[sflag:s17] =	ssyncadd.s32 $0xFFFFFF80  }
0x1c: {  	[tilespmem:s18], [sflag:$0x3] =	stream.linear.gather [hbm4b:s11+s4], $0x80, $0x38;
	[tilespmem:$0x1C200] =	vst v63  }
0x1d: {  	_ =	swait.ge [sflag:s17], $0x80  }
0x1e: {  	p0 =	sle.u32 s8, $0x0;
	[sflag:s17] =	ssyncset.done $0x0  }
0x1f: {  	s22 =	sadd.s32 @!p0 s5, s14;
	[sflag:s17] =	ssyncadd.s32 $0xFFFFFF80  }
0x20: {  	[tilespmem:s20], [sflag:$0x1] =	stream.indirect.gather [hbm4b:s2+s19], $0x80, s4, s19, $0xb8;
	[tilespmem:$0x1C200] =	vst v63  }
0x21: {  	s23 =	simm.s32 @!p0 $0x0;
	s25 =	simm.s32 @!p0 $0x80;
	s24 =	simm.s32 @!p0 $0x4  }
0x22: {  	[tilespmem:s25], [sflag:$0x4] =	stream.linear.gather @!p0 [hbm4b:s22+s23], $0x80, $0x38;
	[tilespmem:$0x1C200] =	vst v63  }
0x23: {  	_ =	swait.ge @!p0 [sflag:s24], $0x80  }
0x24: {  	s26 =	simm.s32 @!p0 $0x180;
	[sflag:s24] =	ssyncset.done @!p0 $0x0  }
0x25: {  	s22 =	sadd.s32 @!p0 s6, s14;
	[sflag:s24] =	ssyncadd.s32 @!p0 $0xFFFFFF80;
	p0 =	por p0, p0  }
0x26: {  	[tilespmem:s26], [sflag:$0x4] =	stream.linear.gather @!p0 [hbm4b:s22+s23], $0x80, $0x38;
	[tilespmem:$0x1C200] =	vst v63  }
0x27: {  	_ =	swait.ge @!p0 [sflag:s24], $0x80  }
0x28: {  	[sflag:s24] =	ssyncset.done @!p0 $0x0  }
0x29: {  	s22 =	simm.s32 @!p0 $0x1;
	[sflag:s24] =	ssyncadd.s32 @!p0 $0xFFFFFF80  }
0x2a: {  	_ =	swait.ge @!p0 [sflag:s22], $0x4000  }
0x2b: {  	[sflag:s22] =	ssyncset.done @!p0 $0x0  }
0x2c: {  	s23 =	simm.s32 @!p0 $0x4200;
	[sflag:s22] =	ssyncadd.s32 @!p0 $0xFFFFC000  }
0x2d: {  	[tilespmem:s23], [sflag:$0x2] =	stream.indirect.gather @!p0 [hbm4b:s2+s25], $0x80, s25, s25, $0xb8;
	[tilespmem:$0x1C200] =	vst v63  }
0x2e: {  	s28 =	simm.s32 @!p0 $0x200;
	s22 =	simm.s32 @!p0 $0x100  }
0x2f: {  	[spmem:s3] =	stream.indirect.scatter.add.f32 @!p0 [tilespmem:s28], [sflag:$0x4], $0x80, s22, s25, $0xb8;
	[tilespmem:$0x1C200] =	vst v63  }
0x30: {  	p1 =	sle.u32 @!p0 s8, $0x2;
	_ =	swait.ge @!p0 [sflag:s24], $0x4000  }
0x31: {  	p2 =	por !p1, p0;
	[sflag:s24] =	ssyncset.done @!p0 $0x0  }
0x32: {  	s22 =	simm.s32 @!p2 $0x2;
	[sflag:s24] =	ssyncadd.s32 @!p0 $0xFFFFC000  }
0x33: {  	p1 =	por p1, p0;
	_ =	swait.ge @!p2 [sflag:s22], $0x4000  }
0x34: {  	s28 =	simm.s32 @!p1 $0x0;
	[sflag:s22] =	ssyncset.done @!p2 $0x0  }
0x35: {  	s24 =	sadd.s32 @!p1 s5, s15;
	[sflag:s22] =	ssyncadd.s32 @!p2 $0xFFFFC000;
	s22 =	simm.s32 @!p1 $0x4  }
0x36: {  	[tilespmem:s28], [sflag:$0x4] =	stream.linear.gather @!p1 [hbm4b:s24+s28], $0x80, $0x38;
	[tilespmem:$0x1C200] =	vst v63  }
0x37: {  	_ =	swait.ge @!p1 [sflag:s22], $0x80  }
0x38: {  	[sflag:s22] =	ssyncset.done @!p1 $0x0  }
0x39: {  	s29 =	simm.s32 @!p1 $0x100;
	s24 =	sadd.s32 @!p1 s6, s15;
	[sflag:s22] =	ssyncadd.s32 @!p1 $0xFFFFFF80  }
0x3a: {  	[tilespmem:s29], [sflag:$0x4] =	stream.linear.gather @!p1 [hbm4b:s24+s28], $0x80, $0x38;
	[tilespmem:$0x1C200] =	vst v63  }
0x3b: {  	_ =	swait.ge @!p1 [sflag:s22], $0x80  }
0x3c: {  	[sflag:s22] =	ssyncset.done @!p1 $0x0  }
0x3d: {  	s24 =	simm.s32 @!p1 $0x2;
	[sflag:s22] =	ssyncadd.s32 @!p1 $0xFFFFFF80  }
0x3e: {  	_ =	swait.ge @!p1 [sflag:s24], $0x4000  }
0x3f: {  	s30 =	simm.s32 @!p0 $0x3;
	[sflag:s24] =	ssyncset.done @!p1 $0x0  }
0x40: {  	s29 =	simm.s32 @!p1 $0x200;
	s22 =	simm.s32 @!p1 $0x80;
	[sflag:s24] =	ssyncadd.s32 @!p1 $0xFFFFC000  }
0x41: {  	[tilespmem:s29], [sflag:$0x1] =	stream.indirect.gather @!p1 [hbm4b:s2+s22], $0x80, s28, s22, $0xb8;
	[tilespmem:$0x1C200] =	vst v63  }
0x42: {  	p2 =	sle.u32 s8, $0x2;
	s24 =	simm.s32 $0x4;
	s22 =	sadd.s32 $0x20, s6  }
0x43: {  	[spmem:s3] =	stream.indirect.scatter.add.f32 @!p0 [tilespmem:s23], [sflag:$0x3], $0x80, s26, s25, $0xb8;
	[tilespmem:$0x1C200] =	vst v63  }
0x44: {  	s25 =	simm.s32 $0x6;
	s23 =	sadd.s32 $0x20, s5;
	_ =	swait.ge @!p0 [sflag:s30], $0x4000  }
.LBB2_2:
0x45: {  	s28 =	sadd.s32 @!p2 s23, s14;
	s29 =	simm.s32 @!p2 $0x0;
	[sflag:s30] =	ssyncset.done @!p0 $0x0  }
0x46: {  	s26 =	simm.s32 @!p2 $0x80;
	s31 =	simm.s32 @!p2 $0x4;
	[sflag:s30] =	ssyncadd.s32 @!p0 $0xFFFFC000  }
0x47: {  	[tilespmem:s26], [sflag:$0x4] =	stream.linear.gather @!p2 [hbm4b:s28+s29], $0x80, $0x38;
	[tilespmem:$0x1C200] =	vst v63  }
0x48: {  	s30 =	smov.u32 s25;
	s25 =	sadd.s32 $0x2, s25;
	_ =	swait.ge @!p2 [sflag:s31], $0x80  }
0x49: {  	s0 =	sadd.s32 @!p2 s22, s14;
	s28 =	simm.s32 @!p2 $0x180;
	[sflag:s31] =	ssyncset.done @!p2 $0x0  }
0x4a: {  	p0 =	por p2, p2;
	p1 =	sne.s32 s25, $0x5A;
	[sflag:s31] =	ssyncadd.s32 @!p2 $0xFFFFFF80  }
0x4b: {  	[tilespmem:s28], [sflag:$0x4] =	stream.linear.gather @!p0 [hbm4b:s0+s29], $0x80, $0x38;
	[tilespmem:$0x1C200] =	vst v63  }
0x4c: {  	_ =	swait.ge @!p0 [sflag:s31], $0x80  }
0x4d: {  	s0 =	simm.s32 @!p0 $0x1;
	[sflag:s31] =	ssyncset.done @!p0 $0x0  }
0x4e: {  	[sflag:s31] =	ssyncadd.s32 @!p0 $0xFFFFFF80  }
0x4f: {  	_ =	swait.ge @!p0 [sflag:s0], $0x4000  }
0x50: {  	s29 =	simm.s32 @!p0 $0x4200;
	[sflag:s0] =	ssyncset.done @!p0 $0x0  }
0x51: {  	s1 =	simm.s32 @!p0 $0x200;
	[sflag:s0] =	ssyncadd.s32 @!p0 $0xFFFFC000;
	s0 =	simm.s32 @!p0 $0x100  }
0x52: {  	[tilespmem:s29], [sflag:$0x2] =	stream.indirect.gather @!p0 [hbm4b:s2+s26], $0x80, s26, s26, $0xb8;
	[tilespmem:$0x1C200] =	vst v63  }
0x53: {  	p2 =	sge.u32 @!p0 s24, s8;
	s24 =	smov.u32 s30  }
0x54: {  	[spmem:s3] =	stream.indirect.scatter.add.f32 @!p0 [tilespmem:s1], [sflag:$0x4], $0x80, s0, s26, $0xb8;
	[tilespmem:$0x1C200] =	vst v63  }
0x55: {  	p3 =	por !p2, p0;
	_ =	swait.ge @!p0 [sflag:s31], $0x4000  }
0x56: {  	s0 =	simm.s32 @!p3 $0x2;
	[sflag:s31] =	ssyncset.done @!p0 $0x0  }
0x57: {  	[sflag:s31] =	ssyncadd.s32 @!p0 $0xFFFFC000  }
0x58: {  	p2 =	por p2, p0;
	_ =	swait.ge @!p3 [sflag:s0], $0x4000  }
0x59: {  	s30 =	simm.s32 @!p2 $0x0;
	s1 =	sadd.s32 @!p2 s23, s15;
	[sflag:s0] =	ssyncset.done @!p3 $0x0  }
0x5a: {  	[sflag:s0] =	ssyncadd.s32 @!p3 $0xFFFFC000;
	s0 =	simm.s32 @!p2 $0x4  }
0x5b: {  	[tilespmem:s30], [sflag:$0x4] =	stream.linear.gather @!p2 [hbm4b:s1+s30], $0x80, $0x38;
	[tilespmem:$0x1C200] =	vst v63  }
0x5c: {  	_ =	swait.ge @!p2 [sflag:s0], $0x80  }
0x5d: {  	s31 =	simm.s32 @!p2 $0x100;
	s1 =	sadd.s32 @!p2 s22, s15;
	[sflag:s0] =	ssyncset.done @!p2 $0x0  }
0x5e: {  	[sflag:s0] =	ssyncadd.s32 @!p2 $0xFFFFFF80  }
0x5f: {  	[tilespmem:s31], [sflag:$0x4] =	stream.linear.gather @!p2 [hbm4b:s1+s30], $0x80, $0x38;
	[tilespmem:$0x1C200] =	vst v63  }
0x60: {  	_ =	swait.ge @!p2 [sflag:s0], $0x80  }
0x61: {  	s1 =	simm.s32 @!p2 $0x2;
	[sflag:s0] =	ssyncset.done @!p2 $0x0  }
0x62: {  	[sflag:s0] =	ssyncadd.s32 @!p2 $0xFFFFFF80  }
0x63: {  	_ =	swait.ge @!p2 [sflag:s1], $0x4000  }
0x64: {  	s31 =	simm.s32 @!p2 $0x200;
	s0 =	simm.s32 @!p2 $0x80;
	[sflag:s1] =	ssyncset.done @!p2 $0x0  }
.Ltmp0:
0x65: {  	[sflag:s1] =	ssyncadd.s32 @!p2 $0xFFFFC000;
	(pc) =	sbr.rel @p1 .LBB2_2-.Ltmp0, $4  }
0x66: {  	[tilespmem:s31], [sflag:$0x1] =	stream.indirect.gather @!p2 [hbm4b:s2+s0], $0x80, s30, s0, $0xb8;
	[tilespmem:$0x1C200] =	vst v63  }
0x67: {  	s22 =	sadd.s32 $0x20, s22;
	s0 =	sadd.s32 $0xFFFFFFFE, s24;
	s30 =	simm.s32 @!p0 $0x3  }
0x68: {  	[spmem:s3] =	stream.indirect.scatter.add.f32 @!p0 [tilespmem:s29], [sflag:$0x3], $0x80, s28, s26, $0xb8;
	[tilespmem:$0x1C200] =	vst v63  }
0x69: {  	s23 =	sadd.s32 $0x20, s23;
	p2 =	sge.u32 s0, s8;
	_ =	swait.ge @!p0 [sflag:s30], $0x4000  }
0x6a: {  	s0 =	sadd.s32 @!p2 s23, s14;
	s1 =	simm.s32 @!p2 $0x0;
	[sflag:s30] =	ssyncset.done @!p0 $0x0  }
0x6b: {  	s25 =	simm.s32 @!p2 $0x80;
	s26 =	simm.s32 @!p2 $0x4;
	[sflag:s30] =	ssyncadd.s32 @!p0 $0xFFFFC000  }
0x6c: {  	[tilespmem:s25], [sflag:$0x4] =	stream.linear.gather @!p2 [hbm4b:s0+s1], $0x80, $0x38;
	[tilespmem:$0x1C200] =	vst v63  }
0x6d: {  	_ =	swait.ge @!p2 [sflag:s26], $0x80  }
0x6e: {  	s28 =	simm.s32 @!p2 $0x180;
	[sflag:s26] =	ssyncset.done @!p2 $0x0  }
0x6f: {  	p0 =	por p2, p2;
	s0 =	sadd.s32 @!p2 s22, s14;
	[sflag:s26] =	ssyncadd.s32 @!p2 $0xFFFFFF80  }
0x70: {  	[tilespmem:s28], [sflag:$0x4] =	stream.linear.gather @!p0 [hbm4b:s0+s1], $0x80, $0x38;
	[tilespmem:$0x1C200] =	vst v63  }
0x71: {  	_ =	swait.ge @!p0 [sflag:s26], $0x80  }
0x72: {  	[sflag:s26] =	ssyncset.done @!p0 $0x0  }
0x73: {  	s0 =	simm.s32 @!p0 $0x1;
	[sflag:s26] =	ssyncadd.s32 @!p0 $0xFFFFFF80  }
0x74: {  	_ =	swait.ge @!p0 [sflag:s0], $0x4000  }
0x75: {  	[sflag:s0] =	ssyncset.done @!p0 $0x0  }
0x76: {  	s1 =	simm.s32 @!p0 $0x4200;
	[sflag:s0] =	ssyncadd.s32 @!p0 $0xFFFFC000  }
0x77: {  	[tilespmem:s1], [sflag:$0x2] =	stream.indirect.gather @!p0 [hbm4b:s2+s25], $0x80, s25, s25, $0xb8;
	[tilespmem:$0x1C200] =	vst v63  }
0x78: {  	s29 =	simm.s32 @!p0 $0x200;
	s0 =	simm.s32 @!p0 $0x100  }
0x79: {  	[spmem:s3] =	stream.indirect.scatter.add.f32 @!p0 [tilespmem:s29], [sflag:$0x4], $0x80, s0, s25, $0xb8;
	[tilespmem:$0x1C200] =	vst v63  }
0x7a: {  	p1 =	sge.u32 @!p0 s24, s8;
	_ =	swait.ge @!p0 [sflag:s26], $0x4000  }
0x7b: {  	p2 =	por !p1, p0;
	[sflag:s26] =	ssyncset.done @!p0 $0x0  }
0x7c: {  	s0 =	simm.s32 @!p2 $0x2;
	[sflag:s26] =	ssyncadd.s32 @!p0 $0xFFFFC000  }
0x7d: {  	p1 =	por p1, p0;
	_ =	swait.ge @!p2 [sflag:s0], $0x4000  }
0x7e: {  	s23 =	sadd.s32 @!p1 s23, s15;
	[sflag:s0] =	ssyncset.done @!p2 $0x0  }
0x7f: {  	s24 =	simm.s32 @!p1 $0x0;
	[sflag:s0] =	ssyncadd.s32 @!p2 $0xFFFFC000;
	s0 =	simm.s32 @!p1 $0x4  }
0x80: {  	[tilespmem:s24], [sflag:$0x4] =	stream.linear.gather @!p1 [hbm4b:s23+s24], $0x80, $0x38;
	[tilespmem:$0x1C200] =	vst v63  }
0x81: {  	_ =	swait.ge @!p1 [sflag:s0], $0x80  }
0x82: {  	[sflag:s0] =	ssyncset.done @!p1 $0x0  }
0x83: {  	s22 =	sadd.s32 @!p1 s22, s15;
	s23 =	simm.s32 @!p1 $0x100;
	[sflag:s0] =	ssyncadd.s32 @!p1 $0xFFFFFF80  }
0x84: {  	[tilespmem:s23], [sflag:$0x4] =	stream.linear.gather @!p1 [hbm4b:s22+s24], $0x80, $0x38;
	[tilespmem:$0x1C200] =	vst v63  }
0x85: {  	_ =	swait.ge @!p1 [sflag:s0], $0x80  }
0x86: {  	[sflag:s0] =	ssyncset.done @!p1 $0x0  }
0x87: {  	s22 =	simm.s32 @!p1 $0x2;
	[sflag:s0] =	ssyncadd.s32 @!p1 $0xFFFFFF80  }
0x88: {  	_ =	swait.ge @!p1 [sflag:s22], $0x4000  }
0x89: {  	[sflag:s22] =	ssyncset.done @!p1 $0x0  }
0x8a: {  	s23 =	simm.s32 @!p1 $0x200;
	s0 =	simm.s32 @!p1 $0x80;
	[sflag:s22] =	ssyncadd.s32 @!p1 $0xFFFFC000  }
0x8b: {  	[tilespmem:s23], [sflag:$0x1] =	stream.indirect.gather @!p1 [hbm4b:s2+s0], $0x80, s24, s0, $0xb8;
	[tilespmem:$0x1C200] =	vst v63  }
0x8c: {  	s0 =	simm.s32 @!p0 $0x3  }
0x8d: {  	[spmem:s3] =	stream.indirect.scatter.add.f32 @!p0 [tilespmem:s1], [sflag:$0x3], $0x80, s28, s25, $0xb8;
	[tilespmem:$0x1C200] =	vst v63  }
0x8e: {  	_ =	swait.ge @!p0 [sflag:s0], $0x4000  }
0x8f: {  	s21 =	sadd.s32 $0x1, s21;
	[sflag:s0] =	ssyncset.done @!p0 $0x0  }
0x90: {  	[sflag:s0] =	ssyncadd.s32 @!p0 $0xFFFFC000;
	p0 =	sne.s32 s21, s13  }
.Ltmp1:
0x91: {  	[bflag:$0x0] =	sbarrier.arrive $0xFFFF;
	(pc) =	sbr.rel @p0 .LBB2_1-.Ltmp1, $4  }
0x92: {  	[hbm:s12], [sflag:s9] =	dma.local [spmem:s16], $0x2800  }
0x93: {  	_ =	swait.ge [sflag:s17], $0x2800  }
0x94: {  	[sflag:s17] =	ssyncset.done $0x0  }
0x95: {  	[sflag:s17] =	ssyncadd.s32 $0xFFFFD800  }
0x96: {  	_ =	sfence.sel $0x180000  }
0x97: {  	[bflag:$0x0] =	sbarrier.arrive $0xFFFF  }
0x98: {  	_ =	strace $0x9000004A  }
0x99: {  	s0 =	stileid.u32;
	[bflag:$0x2] =	sbarrier.arrive $0xFFFF  }
0x9a: {  	p0 =	sne.s32 s0, $0x0;
	s0 =	rddreg [dreg:$0x3]  }
0x9b: {  	s0 =	sadd.s32 @!p0 $0x100000, s0  }
0x9c: {  	[sflag:s0] =	ssyncadd.tile.s32 @!p0 $0x1;
	_ =	shalt  }
.Lfunc_end2:
_tile_overlayer_lowered:
.L_overlay_start_2:
0x9d: {  	(tag) =	ssettag $0x2  }
0x9e: {  	s0 =	rddreg [dreg:$0x0];
	s2 =	stileid.u32  }
0x9f: {  	s1 =	rddreg [dreg:$0x1];
	p0 =	sne.s32 s2, $0x0  }
0xa0: {  	s3 =	rddreg [dreg:$0x2];
	[bflag:$0x3] =	sbarrier.arrive $0xFFFF;
	s2 =	simm.s32 @!p0 $0x1C03  }
0xa1: {  	[timem:s3], [sflag:s2] =	dma.local @!p0 [hbm:s0], s1  }
0xa2: {  	s0 =	simm.s32 @!p0 $0x3  }
0xa3: {  	_ =	swait.ge @!p0 [sflag:s0], s1  }
0xa4: {  	s1 =	ssub.s32 @!p0 $0x0, s1;
	[sflag:s0] =	ssyncset.done @!p0 $0x0  }
0xa5: {  	[sflag:s0] =	ssyncadd.s32 @!p0 s1  }
0xa6: {  	[bflag:$0x3] =	sbarrier.arrive $0xFFFF  }
0xa7: {  	_ =	shalt  }

// kernel: kernel.14.cloned.1.call-start
scs
__scs_entry_jumppad:
0x0: {  	(pc) =	sbr.rel $0x88, $3  }
0x1: {  	(tag) =	ssettag $0x0;
	lr =	simm.s32 $0x1  }
0x2: {  	[smem:$0x3F91] =	sst lr;
	_ =	strace $0xD0000000  }
0x3: {  	_ = 	snop  }
0x4: {  	_ = 	snop  }
0x5: {  	_ = 	snop  }
0x6: {  	_ = 	snop  }
0x7: {  	_ = 	snop  }
__scs_overlays_trampoline_lowered:
0x8: {  	[smem:$0x3FA0] =	sst s0  }
0x9: {  	[smem:$0x3FA1] =	sst s1  }
0xa: {  	[smem:$0x3FA2] =	sst s2  }
0xb: {  	[smem:$0x3FA3] =	sst s3  }
0xc: {  	[smem:$0x3FA4] =	sst s4  }
0xd: {  	[smem:$0x3FA5] =	sst s5  }
0xe: {  	[smem:$0x3FA6] =	sst s6  }
0xf: {  	[smem:$0x3FA7] =	sst s7  }
0x10: {  	[smem:$0x3FA8] =	sst s8  }
0x11: {  	[smem:$0x3FA9] =	sst s9;
	s0 =	simm.s32 @!p0 $0x0  }
0x12: {  	s1 =	sld [smem:$0x3F8F];
	s0 =	simm.s32 @p0 $0x1  }
0x13: {  	[smem:$0x3FAA] =	sst s0;
	s0 =	simm.s32 @!p1 $0x0  }
0x14: {  	s2 =	sld [smem:$0x3F8E];
	s0 =	simm.s32 @p1 $0x1  }
0x15: {  	[smem:$0x3FAB] =	sst s0;
	s0 =	simm.s32 @!p2 $0x0  }
0x16: {  	s3 =	sld [smem:$0x3FDB];
	s0 =	simm.s32 @p2 $0x1  }
0x17: {  	s4 =	simm.s32 $0x1BF5;
	[smem:$0x3FAD] =	sst s0  }
0x18: {  	s0 =	sld [smem:$0x3F90];
	_ =	swait.ge [sflag:s4], $0x0  }
0x19: {  	s7 =	sld [smem:$0x3F91]  }
0x1a: {  	s8 =	sadd.s32 $0xFFFFE003, lr  }
0x1b: {  	s9 =	sadd.s32 $0xFFFFFEF7, lr;
	s5 =	simm.s32 $0xFFFFFFFF;
	p2 =	slt.u32 s8, $0xFFFFF086  }
0x1c: {  	p1 =	slt.u32 s9, $0xF7A;
	s5 =	simm.s32 @!p2 $0x0  }
0x1d: {  	s5 =	simm.s32 @p1 $0x1;
	p0 =	seq.s32 s7, s2  }
0x1e: {  	s7 =	smul.u32 @!p0 $0xF7A, s2;
	p2 =	seq.s32 @!p0 s5, $0x0  }
0x1f: {  	s9 =	smul.u32 $0xF7A, s1;
	s8 =	simm.s32 @!p0 $0x1BF5;
	p2 =	por !p2, p0  }
0x20: {  	[sflag:s8] =	ssyncset.s32 @!p0 $0xFFFFF086;
	s6 =	sadd.s32 @!p0 s3, s7;
	s7 =	simm.s32 @!p0 $0x108  }
0x21: {  	s3 =	sadd.s32 s3, s9;
	s6 =	sadd.s32 @!p0 $0x88, s6;
	s7 =	simm.s32 @p2 $0x1082  }
0x22: {  	[simem:s7], [sflag:s8] =	dma.local @!p0 [hbm:s6], $0xF7A  }
0x23: {  	s9 =	sor.u32 $0xD0000000, s2;
	s6 =	simm.s32 $0x108;
	_ =	swait.ge @!p0 [sflag:s8], $0x0  }
0x24: {  	s3 =	sadd.s32 $0x88, s3;
	s6 =	simm.s32 @!p1 $0x1082;
	[sflag:s4] =	ssyncset.s32 $0xFFFFF086  }
0x25: {  	[simem:s6], [sflag:s4] =	dma.local [hbm:s3], $0xF7A  }
0x26: {  	[smem:$0x3F91] =	sst s1;
	(tag) =	ssettag s2;
	_ =	strace s9  }
0x27: {  	s1 =	sld [smem:$0x3FA1]  }
0x28: {  	s2 =	sld [smem:$0x3FA2]  }
0x29: {  	s4 =	sld [smem:$0x3FA4]  }
0x2a: {  	p0 =	seq.s32 s5, $0x0;
	s5 =	sld [smem:$0x3FA5]  }
0x2b: {  	s6 =	sld [smem:$0x3FA6]  }
0x2c: {  	s7 =	sld [smem:$0x3FA7]  }
0x2d: {  	s3 =	simm.s32 $0x108;
	s8 =	sld [smem:$0x3FA8]  }
0x2e: {  	s3 =	simm.s32 @!p0 $0x1082;
	s9 =	sld [smem:$0x3FA9]  }
0x2f: {  	lr =	sadd.s32 s0, s3;
	s0 =	sld [smem:$0x3FA0]  }
0x30: {  	s3 =	sld [smem:$0x3FA3]  }
0x31: {  	[smem:$0x3FAC] =	sst s10  }
0x32: {  	s10 =	sld [smem:$0x3FAA];
	_ =	sdelay $0x3  }
0x33: {  	p0 =	seq.s32 s10, $0x1;
	s10 =	sld [smem:$0x3FAC];
	_ =	sdelay $0x3  }
0x34: {  	[smem:$0x3FAC] =	sst s10  }
0x35: {  	s10 =	sld [smem:$0x3FAB];
	_ =	sdelay $0x3  }
0x36: {  	p1 =	seq.s32 s10, $0x1;
	s10 =	sld [smem:$0x3FAC];
	_ =	sdelay $0x3  }
0x37: {  	[smem:$0x3FAC] =	sst s10  }
0x38: {  	s10 =	sld [smem:$0x3FAD]  }
0x39: {  	_ = 	snop;
	(pc) =	sbr.ind lr, $3  }
0x3a: {  	_ = 	snop  }
0x3b: {  	_ = 	snop  }
0x3c: {  	p2 =	seq.s32 s10, $0x1;
	s10 =	sld [smem:$0x3FAC]  }
0x3d: {  	_ =	shalt  }
0x3e: {  	_ =	shalt  }
0x3f: {  	_ =	shalt  }
0x40: {  	_ =	shalt  }
0x41: {  	_ =	shalt  }
0x42: {  	_ =	shalt  }
0x43: {  	_ =	shalt  }
0x44: {  	_ =	shalt  }
0x45: {  	_ =	shalt  }
0x46: {  	_ =	shalt  }
0x47: {  	_ =	shalt  }
0x48: {  	_ =	shalt  }
0x49: {  	_ =	shalt  }
0x4a: {  	_ =	shalt  }
0x4b: {  	_ =	shalt  }
0x4c: {  	_ =	shalt  }
0x4d: {  	_ =	shalt  }
0x4e: {  	_ =	shalt  }
0x4f: {  	_ =	shalt  }
0x50: {  	_ =	shalt  }
0x51: {  	_ =	shalt  }
0x52: {  	_ =	shalt  }
0x53: {  	_ =	shalt  }
0x54: {  	_ =	shalt  }
0x55: {  	_ =	shalt  }
0x56: {  	_ =	shalt  }
0x57: {  	_ =	shalt  }
0x58: {  	_ =	shalt  }
0x59: {  	_ =	shalt  }
0x5a: {  	_ =	shalt  }
0x5b: {  	_ =	shalt  }
0x5c: {  	_ =	shalt  }
0x5d: {  	_ =	shalt  }
0x5e: {  	_ =	shalt  }
0x5f: {  	_ =	shalt  }
0x60: {  	_ =	shalt  }
0x61: {  	_ =	shalt  }
0x62: {  	_ =	shalt  }
0x63: {  	_ =	shalt  }
0x64: {  	_ =	shalt  }
0x65: {  	_ =	shalt  }
0x66: {  	_ =	shalt  }
0x67: {  	_ =	shalt  }
0x68: {  	_ =	shalt  }
0x69: {  	_ =	shalt  }
0x6a: {  	_ =	shalt  }
0x6b: {  	_ =	shalt  }
0x6c: {  	_ =	shalt  }
0x6d: {  	_ =	shalt  }
0x6e: {  	_ =	shalt  }
0x6f: {  	_ =	shalt  }
0x70: {  	_ =	shalt  }
0x71: {  	_ =	shalt  }
0x72: {  	_ =	shalt  }
0x73: {  	_ =	shalt  }
0x74: {  	_ =	shalt  }
0x75: {  	_ =	shalt  }
0x76: {  	_ =	shalt  }
0x77: {  	_ =	shalt  }
0x78: {  	_ =	shalt  }
0x79: {  	_ =	shalt  }
0x7a: {  	_ =	shalt  }
0x7b: {  	_ =	shalt  }
0x7c: {  	_ =	shalt  }
0x7d: {  	_ =	shalt  }
0x7e: {  	_ =	shalt  }
0x7f: {  	_ =	shalt  }
0x80: {  	_ =	shalt  }
0x81: {  	_ =	shalt  }
0x82: {  	_ =	shalt  }
0x83: {  	_ =	shalt  }
0x84: {  	_ =	shalt  }
0x85: {  	_ =	shalt  }
0x86: {  	_ =	shalt  }
0x87: {  	_ =	shalt  }
.Lfunc_end0:
.L_simem_size_0:
called_computation.2_lowered:
.L_overlay_start_0:
0x88: {  	s2 =	sld [smem:$0x3FD9]  }
0x89: {  	s3 =	sld [smem:$0x3FFE];
	_ =	sdelay $0x1  }
0x8a: {  	s1 =	srdreg.scid  }
0x8b: {  	s0 =	sand.u32 $0x1, s1  }
0x8c: {  	s17 =	sshll.u32 s0, $0xA;
	s2 =	sadd.s32 s3, s2  }
0x8d: {  	s2 =	sadd.s32 s2, s17  }
0x8e: {  	[smem:$0x3FB8] =	sst s2  }
0x8f: {  	_ = 	snop  }
0x90: {  	s2 =	sld [smem:$0x3FD0];
	(tm) =	ssettm $0x1  }
0x91: {  	s18 =	sld [smem:$0x3FFB];
	_ =	sdelay $0x3  }
0x92: {  	_ =	strace s18  }
0x93: {  	s3 =	sld [smem:$0x3FFC];
	_ =	sdelay $0x3  }
0x94: {  	_ =	strace s3  }
0x95: {  	s3 =	sld [smem:$0x3FFD];
	_ =	sdelay $0x3  }
0x96: {  	_ =	strace s3  }
0x97: {  	_ =	strace $0x8FFFFFFF  }
0x98: {  	s19 =	sld [smem:$0x3FDB];
	_ =	sdelay $0x1  }
0x99: {  	s4 =	simm.s32 $_scs_section_size  }
0x9a: {  	s5 =	simm.s32 $_size__tile_overlayer_lowered;
	s6 =	simm.s32 $_tile_overlayer_lowered  }
0x9b: {  	s22 =	simm.s32 $0x1BFF;
	s21 =	sshll.u32 s6, $0x1;
	s3 =	sadd.s32 s4, s19  }
0x9c: {  	s7 =	simm.s32 $0x0;
	s20 =	sshll.u32 s5, $0x1;
	s5 =	sadd.s32 s21, s3  }
0x9d: {  	[timem:s7], [sflag:s22] =	dma.local [hbm:s5], s20  }
0x9e: {  	_ =	swait.ge [sflag:s22], s20  }
0x9f: {  	s4 =	ssub.s32 $0x0, s20;
	[sflag:s22] =	ssyncset.done $0x0  }
0xa0: {  	[sflag:s22] =	ssyncadd.s32 s4;
	_ =	sdelay $0x1  }
0xa1: {  	s23 =	simm.s32 $0x1B8B  }
0xa2: {  	_ =	swait.ge [sflag:s23], $0x1  }
0xa3: {  	[sflag:s23] =	ssyncset.done $0x0  }
0xa4: {  	s25 =	simm.s32 $0x1B8E;
	s24 =	sld [smem:$0x3FFE];
	[sflag:s23] =	ssyncadd.s32 $0xFFFFFFFF  }
0xa5: {  	s26 =	simm.s32 $execute0_lowered;
	[smem:$0x3FD2] =	sst s25  }
0xa6: {  	s5 =	sshll.u32 s26, $0x1;
	_ =	strace $0x8000004C;
	[dreg:$0x1] =	wrdreg $0xFFFFFFFF  }
0xa7: {  	s28 =	simm.s32 $_size_execute0_lowered;
	s3 =	sadd.s32 s3, s5;
	[dreg:$0x0] =	wrdreg $0x0  }
0xa8: {  	s5 =	sshll.u32 s28, $0x1;
	[dreg:$0x2] =	wrdreg s3  }
0xa9: {  	[dreg:$0x3] =	wrdreg s5  }
0xaa: {  	[dreg:$0x4] =	wrdreg $0xC0  }
0xab: {  	_ =	task [dreg:s7], $0x5FFFF  }
0xac: {  	[dreg:$0x1] =	wrdreg $0xFFFFFFFF  }
0xad: {  	[dreg:$0x0] =	wrdreg $0x60  }
0xae: {  	[dreg:$0x2] =	wrdreg s2  }
0xaf: {  	[dreg:$0x3] =	wrdreg s24  }
0xb0: {  	[dreg:$0x4] =	wrdreg $0x82000  }
0xb1: {  	[dreg:$0x5] =	wrdreg $0x9  }
0xb2: {  	_ =	task.clear_ibuf [dreg:s7], $0x6FFFF;
	_ =	strace $0x9000004C  }
0xb3: {  	s29 =	simm.s32 $0x9;
	_ =	strace $0x8000004E  }
0xb4: {  	_ =	swait.ge [sflag:s29], $0x1  }
0xb5: {  	[sflag:s29] =	ssyncadd.s32 $0xFFFFFFFF  }
0xb6: {  	_ =	strace $0x9000004E  }
0xb7: {  	_ =	sfence  }
0xb8: {  	s30 =	sld [smem:$0x0];
	_ =	sdelay $0x2  }
0xb9: {  	s31 =	sshll.u32 s1, $0xD;
	s1 =	sshrl.u32 s1, $0x2  }
0xba: {  	s3 =	sand.u32 $0x4000, s31;
	s1 =	sadd.s32 s1, s30  }
0xbb: {  	s0 =	sor.u32 s3, s0;
	s1 =	sshll.u32 s1, $0x11  }
0xbc: {  	s0 =	sor.u32 s1, s0  }
0xbd: {  	s0 =	sadd.s32 $0x8F2B, s0  }
0xbe: {  	[sflag:s0] =	ssyncadd.remote.s32 $0x1  }
0xbf: {  	_ =	sfence.sel $0xFFFF  }
0xc0: {  	[dreg:$0x0] =	wrdreg $0xFFFFFFFF;
	(pc) =	sbr.abs _section_cstart, $3  }
0xc1: {  	[dreg:$0x1] =	wrdreg $0xFFFFFFFF  }
0xc2: {  	_ =	task.clear_ibuf [dreg:s7], $0x2FFFF;
	_ =	strace $0x9FFFFFFF  }
0xc3: {  	(tm) =	ssettm $0x7FFFFFFF  }
tec
execute0_lowered:
.L_overlay_start_1:
0x0: {  	(tag) =	ssettag $0x1  }
0x1: {  	s2 =	rddreg [dreg:$0x0]  }
0x2: {  	s7 =	rddreg [dreg:$0x1]  }
0x3: {  	s3 =	rddreg [dreg:$0x2]  }
0x4: {  	s0 =	stileid.u32;
	s5 =	srdreg.scid  }
0x5: {  	s4 =	simm.s32 $0x0;
	s17 =	simm.s32 $0x3;
	s18 =	simm.s32 $0x100  }
0x6: {  	s19 =	simm.s32 $0x80;
	s20 =	simm.s32 $0x200;
	s8 =	smul.u32 $0x14000, s0  }
0x7: {  	s21 =	simm.s32 $0x0;
	s9 =	sand.u32 $0x1, s5;
	s11 =	smul.u32 $0x50000, s0  }
0x8: {  	[smem:$0x7FF] =	sst s4;
	s5 =	sadd.s32 $0x8F200, s7;
	s13 =	smul.u32 $0x2C00, s0  }
0x9: {  	s6 =	sadd.s32 $0x85400, s7;
	s31 =	sshll.u32 s0, $0x6;
	s10 =	smul.u32 $0x140000, s9  }
0xa: {  	_ =	strace $0x8000004D;
	s29 =	ssub.s32 $0x2, s9;
	p0 =	seq.s32 s9, $0x0  }
0xb: {  	s30 =	sshrl.u32 s29, $0x1;
	s11 =	sshrl.u32 s11, $0x2;
	s10 =	sadd.s32 s8, s10  }
0xc: {  	s9 =	sadd.s32 $0x23000, s13;
	s8 =	sshrl.u32 s8, $0x3;
	s10 =	sshrl.u32 s10, $0x3  }
0xd: {  	s14 =	ssub.s32 s29, s30;
	s12 =	sadd.s32 s10, s7;
	s10 =	smul.u32 $0x2300, s0  }
0xe: {  	s16 =	sadd.s32 s11, s3;
	s8 =	sadd.s32 s8, s7;
	s13 =	smax.u32 s14, $0x1  }
0xf: {  	s7 =	sadd.s32 $0xD400, s8;
	s8 =	simm.s32 $0x58;
	s10 =	smov.u32 @p0 s9  }
0x10: {  	s16 =	sshrl.u32 s16, $0x3;
	s8 =	simm.s32 @!p0 $0x46;
	s15 =	sshrl.u32 s10, $0x3  }
0x11: {  	s12 =	sadd.s32 $0x99000, s12;
	s9 =	sor.u32 $0x1C03, s31;
	s10 =	sadd.s32 s5, s15  }
0x12: {  	s11 =	sadd.s32 s6, s15;
	s14 =	sor.u32 $0x10, s15;
	s15 =	sadd.s32 $0x20, s15  }
.LBB2_1:
0x13: {  	[spmem:s16], [sflag:s9] =	dma.local [hbm:s7], $0x2800  }
0x14: {  	_ =	swait.ge [sflag:s17], $0x2800  }
0x15: {  	[sflag:s17] =	ssyncset.done $0x0  }
0x16: {  	[sflag:s17] =	ssyncadd.s32 $0xFFFFD800  }
0x17: {  	[bflag:$0x0] =	sbarrier.arrive $0xFFFF  }
0x18: {  	[tilespmem:s4], [sflag:$0x3] =	stream.linear.gather [hbm4b:s10+s4], $0x80, $0x38;
	[tilespmem:$0x1C200] =	vst v63  }
0x19: {  	_ =	swait.ge [sflag:s17], $0x80  }
0x1a: {  	[sflag:s17] =	ssyncset.done $0x0  }
0x1b: {  	[sflag:s17] =	ssyncadd.s32 $0xFFFFFF80  }
0x1c: {  	[tilespmem:s18], [sflag:$0x3] =	stream.linear.gather [hbm4b:s11+s4], $0x80, $0x38;
	[tilespmem:$0x1C200] =	vst v63  }
0x1d: {  	_ =	swait.ge [sflag:s17], $0x80  }
0x1e: {  	p0 =	sle.u32 s8, $0x0;
	[sflag:s17] =	ssyncset.done $0x0  }
0x1f: {  	s22 =	sadd.s32 @!p0 s5, s14;
	[sflag:s17] =	ssyncadd.s32 $0xFFFFFF80  }
0x20: {  	[tilespmem:s20], [sflag:$0x1] =	stream.indirect.gather [hbm4b:s2+s19], $0x80, s4, s19, $0xb8;
	[tilespmem:$0x1C200] =	vst v63  }
0x21: {  	s23 =	simm.s32 @!p0 $0x0;
	s25 =	simm.s32 @!p0 $0x80;
	s24 =	simm.s32 @!p0 $0x4  }
0x22: {  	[tilespmem:s25], [sflag:$0x4] =	stream.linear.gather @!p0 [hbm4b:s22+s23], $0x80, $0x38;
	[tilespmem:$0x1C200] =	vst v63  }
0x23: {  	_ =	swait.ge @!p0 [sflag:s24], $0x80  }
0x24: {  	s26 =	simm.s32 @!p0 $0x180;
	[sflag:s24] =	ssyncset.done @!p0 $0x0  }
0x25: {  	s22 =	sadd.s32 @!p0 s6, s14;
	[sflag:s24] =	ssyncadd.s32 @!p0 $0xFFFFFF80;
	p0 =	por p0, p0  }
0x26: {  	[tilespmem:s26], [sflag:$0x4] =	stream.linear.gather @!p0 [hbm4b:s22+s23], $0x80, $0x38;
	[tilespmem:$0x1C200] =	vst v63  }
0x27: {  	_ =	swait.ge @!p0 [sflag:s24], $0x80  }
0x28: {  	[sflag:s24] =	ssyncset.done @!p0 $0x0  }
0x29: {  	s22 =	simm.s32 @!p0 $0x1;
	[sflag:s24] =	ssyncadd.s32 @!p0 $0xFFFFFF80  }
0x2a: {  	_ =	swait.ge @!p0 [sflag:s22], $0x4000  }
0x2b: {  	[sflag:s22] =	ssyncset.done @!p0 $0x0  }
0x2c: {  	s23 =	simm.s32 @!p0 $0x4200;
	[sflag:s22] =	ssyncadd.s32 @!p0 $0xFFFFC000  }
0x2d: {  	[tilespmem:s23], [sflag:$0x2] =	stream.indirect.gather @!p0 [hbm4b:s2+s25], $0x80, s25, s25, $0xb8;
	[tilespmem:$0x1C200] =	vst v63  }
0x2e: {  	s28 =	simm.s32 @!p0 $0x200;
	s22 =	simm.s32 @!p0 $0x100  }
0x2f: {  	[spmem:s3] =	stream.indirect.scatter.add.f32 @!p0 [tilespmem:s28], [sflag:$0x4], $0x80, s22, s25, $0xb8;
	[tilespmem:$0x1C200] =	vst v63  }
0x30: {  	p1 =	sle.u32 @!p0 s8, $0x2;
	_ =	swait.ge @!p0 [sflag:s24], $0x4000  }
0x31: {  	p2 =	por !p1, p0;
	[sflag:s24] =	ssyncset.done @!p0 $0x0  }
0x32: {  	s22 =	simm.s32 @!p2 $0x2;
	[sflag:s24] =	ssyncadd.s32 @!p0 $0xFFFFC000  }
0x33: {  	p1 =	por p1, p0;
	_ =	swait.ge @!p2 [sflag:s22], $0x4000  }
0x34: {  	s28 =	simm.s32 @!p1 $0x0;
	[sflag:s22] =	ssyncset.done @!p2 $0x0  }
0x35: {  	s24 =	sadd.s32 @!p1 s5, s15;
	[sflag:s22] =	ssyncadd.s32 @!p2 $0xFFFFC000;
	s22 =	simm.s32 @!p1 $0x4  }
0x36: {  	[tilespmem:s28], [sflag:$0x4] =	stream.linear.gather @!p1 [hbm4b:s24+s28], $0x80, $0x38;
	[tilespmem:$0x1C200] =	vst v63  }
0x37: {  	_ =	swait.ge @!p1 [sflag:s22], $0x80  }
0x38: {  	[sflag:s22] =	ssyncset.done @!p1 $0x0  }
0x39: {  	s29 =	simm.s32 @!p1 $0x100;
	s24 =	sadd.s32 @!p1 s6, s15;
	[sflag:s22] =	ssyncadd.s32 @!p1 $0xFFFFFF80  }
0x3a: {  	[tilespmem:s29], [sflag:$0x4] =	stream.linear.gather @!p1 [hbm4b:s24+s28], $0x80, $0x38;
	[tilespmem:$0x1C200] =	vst v63  }
0x3b: {  	_ =	swait.ge @!p1 [sflag:s22], $0x80  }
0x3c: {  	[sflag:s22] =	ssyncset.done @!p1 $0x0  }
0x3d: {  	s24 =	simm.s32 @!p1 $0x2;
	[sflag:s22] =	ssyncadd.s32 @!p1 $0xFFFFFF80  }
0x3e: {  	_ =	swait.ge @!p1 [sflag:s24], $0x4000  }
0x3f: {  	s30 =	simm.s32 @!p0 $0x3;
	[sflag:s24] =	ssyncset.done @!p1 $0x0  }
0x40: {  	s29 =	simm.s32 @!p1 $0x200;
	s22 =	simm.s32 @!p1 $0x80;
	[sflag:s24] =	ssyncadd.s32 @!p1 $0xFFFFC000  }
0x41: {  	[tilespmem:s29], [sflag:$0x1] =	stream.indirect.gather @!p1 [hbm4b:s2+s22], $0x80, s28, s22, $0xb8;
	[tilespmem:$0x1C200] =	vst v63  }
0x42: {  	p2 =	sle.u32 s8, $0x2;
	s24 =	simm.s32 $0x4;
	s22 =	sadd.s32 $0x20, s6  }
0x43: {  	[spmem:s3] =	stream.indirect.scatter.add.f32 @!p0 [tilespmem:s23], [sflag:$0x3], $0x80, s26, s25, $0xb8;
	[tilespmem:$0x1C200] =	vst v63  }
0x44: {  	s25 =	simm.s32 $0x6;
	s23 =	sadd.s32 $0x20, s5;
	_ =	swait.ge @!p0 [sflag:s30], $0x4000  }
.LBB2_2:
0x45: {  	s28 =	sadd.s32 @!p2 s23, s14;
	s29 =	simm.s32 @!p2 $0x0;
	[sflag:s30] =	ssyncset.done @!p0 $0x0  }
0x46: {  	s26 =	simm.s32 @!p2 $0x80;
	s31 =	simm.s32 @!p2 $0x4;
	[sflag:s30] =	ssyncadd.s32 @!p0 $0xFFFFC000  }
0x47: {  	[tilespmem:s26], [sflag:$0x4] =	stream.linear.gather @!p2 [hbm4b:s28+s29], $0x80, $0x38;
	[tilespmem:$0x1C200] =	vst v63  }
0x48: {  	s30 =	smov.u32 s25;
	s25 =	sadd.s32 $0x2, s25;
	_ =	swait.ge @!p2 [sflag:s31], $0x80  }
0x49: {  	s0 =	sadd.s32 @!p2 s22, s14;
	s28 =	simm.s32 @!p2 $0x180;
	[sflag:s31] =	ssyncset.done @!p2 $0x0  }
0x4a: {  	p0 =	por p2, p2;
	p1 =	sne.s32 s25, $0x5A;
	[sflag:s31] =	ssyncadd.s32 @!p2 $0xFFFFFF80  }
0x4b: {  	[tilespmem:s28], [sflag:$0x4] =	stream.linear.gather @!p0 [hbm4b:s0+s29], $0x80, $0x38;
	[tilespmem:$0x1C200] =	vst v63  }
0x4c: {  	_ =	swait.ge @!p0 [sflag:s31], $0x80  }
0x4d: {  	s0 =	simm.s32 @!p0 $0x1;
	[sflag:s31] =	ssyncset.done @!p0 $0x0  }
0x4e: {  	[sflag:s31] =	ssyncadd.s32 @!p0 $0xFFFFFF80  }
0x4f: {  	_ =	swait.ge @!p0 [sflag:s0], $0x4000  }
0x50: {  	s29 =	simm.s32 @!p0 $0x4200;
	[sflag:s0] =	ssyncset.done @!p0 $0x0  }
0x51: {  	s1 =	simm.s32 @!p0 $0x200;
	[sflag:s0] =	ssyncadd.s32 @!p0 $0xFFFFC000;
	s0 =	simm.s32 @!p0 $0x100  }
0x52: {  	[tilespmem:s29], [sflag:$0x2] =	stream.indirect.gather @!p0 [hbm4b:s2+s26], $0x80, s26, s26, $0xb8;
	[tilespmem:$0x1C200] =	vst v63  }
0x53: {  	p2 =	sge.u32 @!p0 s24, s8;
	s24 =	smov.u32 s30  }
0x54: {  	[spmem:s3] =	stream.indirect.scatter.add.f32 @!p0 [tilespmem:s1], [sflag:$0x4], $0x80, s0, s26, $0xb8;
	[tilespmem:$0x1C200] =	vst v63  }
0x55: {  	p3 =	por !p2, p0;
	_ =	swait.ge @!p0 [sflag:s31], $0x4000  }
0x56: {  	s0 =	simm.s32 @!p3 $0x2;
	[sflag:s31] =	ssyncset.done @!p0 $0x0  }
0x57: {  	[sflag:s31] =	ssyncadd.s32 @!p0 $0xFFFFC000  }
0x58: {  	p2 =	por p2, p0;
	_ =	swait.ge @!p3 [sflag:s0], $0x4000  }
0x59: {  	s30 =	simm.s32 @!p2 $0x0;
	s1 =	sadd.s32 @!p2 s23, s15;
	[sflag:s0] =	ssyncset.done @!p3 $0x0  }
0x5a: {  	[sflag:s0] =	ssyncadd.s32 @!p3 $0xFFFFC000;
	s0 =	simm.s32 @!p2 $0x4  }
0x5b: {  	[tilespmem:s30], [sflag:$0x4] =	stream.linear.gather @!p2 [hbm4b:s1+s30], $0x80, $0x38;
	[tilespmem:$0x1C200] =	vst v63  }
0x5c: {  	_ =	swait.ge @!p2 [sflag:s0], $0x80  }
0x5d: {  	s31 =	simm.s32 @!p2 $0x100;
	s1 =	sadd.s32 @!p2 s22, s15;
	[sflag:s0] =	ssyncset.done @!p2 $0x0  }
0x5e: {  	[sflag:s0] =	ssyncadd.s32 @!p2 $0xFFFFFF80  }
0x5f: {  	[tilespmem:s31], [sflag:$0x4] =	stream.linear.gather @!p2 [hbm4b:s1+s30], $0x80, $0x38;
	[tilespmem:$0x1C200] =	vst v63  }
0x60: {  	_ =	swait.ge @!p2 [sflag:s0], $0x80  }
0x61: {  	s1 =	simm.s32 @!p2 $0x2;
	[sflag:s0] =	ssyncset.done @!p2 $0x0  }
0x62: {  	[sflag:s0] =	ssyncadd.s32 @!p2 $0xFFFFFF80  }
0x63: {  	_ =	swait.ge @!p2 [sflag:s1], $0x4000  }
0x64: {  	s31 =	simm.s32 @!p2 $0x200;
	s0 =	simm.s32 @!p2 $0x80;
	[sflag:s1] =	ssyncset.done @!p2 $0x0  }
.Ltmp0:
0x65: {  	[sflag:s1] =	ssyncadd.s32 @!p2 $0xFFFFC000;
	(pc) =	sbr.rel @p1 .LBB2_2-.Ltmp0, $4  }
0x66: {  	[tilespmem:s31], [sflag:$0x1] =	stream.indirect.gather @!p2 [hbm4b:s2+s0], $0x80, s30, s0, $0xb8;
	[tilespmem:$0x1C200] =	vst v63  }
0x67: {  	s22 =	sadd.s32 $0x20, s22;
	s0 =	sadd.s32 $0xFFFFFFFE, s24;
	s30 =	simm.s32 @!p0 $0x3  }
0x68: {  	[spmem:s3] =	stream.indirect.scatter.add.f32 @!p0 [tilespmem:s29], [sflag:$0x3], $0x80, s28, s26, $0xb8;
	[tilespmem:$0x1C200] =	vst v63  }
0x69: {  	s23 =	sadd.s32 $0x20, s23;
	p2 =	sge.u32 s0, s8;
	_ =	swait.ge @!p0 [sflag:s30], $0x4000  }
0x6a: {  	s0 =	sadd.s32 @!p2 s23, s14;
	s1 =	simm.s32 @!p2 $0x0;
	[sflag:s30] =	ssyncset.done @!p0 $0x0  }
0x6b: {  	s25 =	simm.s32 @!p2 $0x80;
	s26 =	simm.s32 @!p2 $0x4;
	[sflag:s30] =	ssyncadd.s32 @!p0 $0xFFFFC000  }
0x6c: {  	[tilespmem:s25], [sflag:$0x4] =	stream.linear.gather @!p2 [hbm4b:s0+s1], $0x80, $0x38;
	[tilespmem:$0x1C200] =	vst v63  }
0x6d: {  	_ =	swait.ge @!p2 [sflag:s26], $0x80  }
0x6e: {  	s28 =	simm.s32 @!p2 $0x180;
	[sflag:s26] =	ssyncset.done @!p2 $0x0  }
0x6f: {  	p0 =	por p2, p2;
	s0 =	sadd.s32 @!p2 s22, s14;
	[sflag:s26] =	ssyncadd.s32 @!p2 $0xFFFFFF80  }
0x70: {  	[tilespmem:s28], [sflag:$0x4] =	stream.linear.gather @!p0 [hbm4b:s0+s1], $0x80, $0x38;
	[tilespmem:$0x1C200] =	vst v63  }
0x71: {  	_ =	swait.ge @!p0 [sflag:s26], $0x80  }
0x72: {  	[sflag:s26] =	ssyncset.done @!p0 $0x0  }
0x73: {  	s0 =	simm.s32 @!p0 $0x1;
	[sflag:s26] =	ssyncadd.s32 @!p0 $0xFFFFFF80  }
0x74: {  	_ =	swait.ge @!p0 [sflag:s0], $0x4000  }
0x75: {  	[sflag:s0] =	ssyncset.done @!p0 $0x0  }
0x76: {  	s1 =	simm.s32 @!p0 $0x4200;
	[sflag:s0] =	ssyncadd.s32 @!p0 $0xFFFFC000  }
0x77: {  	[tilespmem:s1], [sflag:$0x2] =	stream.indirect.gather @!p0 [hbm4b:s2+s25], $0x80, s25, s25, $0xb8;
	[tilespmem:$0x1C200] =	vst v63  }
0x78: {  	s29 =	simm.s32 @!p0 $0x200;
	s0 =	simm.s32 @!p0 $0x100  }
0x79: {  	[spmem:s3] =	stream.indirect.scatter.add.f32 @!p0 [tilespmem:s29], [sflag:$0x4], $0x80, s0, s25, $0xb8;
	[tilespmem:$0x1C200] =	vst v63  }
0x7a: {  	p1 =	sge.u32 @!p0 s24, s8;
	_ =	swait.ge @!p0 [sflag:s26], $0x4000  }
0x7b: {  	p2 =	por !p1, p0;
	[sflag:s26] =	ssyncset.done @!p0 $0x0  }
0x7c: {  	s0 =	simm.s32 @!p2 $0x2;
	[sflag:s26] =	ssyncadd.s32 @!p0 $0xFFFFC000  }
0x7d: {  	p1 =	por p1, p0;
	_ =	swait.ge @!p2 [sflag:s0], $0x4000  }
0x7e: {  	s23 =	sadd.s32 @!p1 s23, s15;
	[sflag:s0] =	ssyncset.done @!p2 $0x0  }
0x7f: {  	s24 =	simm.s32 @!p1 $0x0;
	[sflag:s0] =	ssyncadd.s32 @!p2 $0xFFFFC000;
	s0 =	simm.s32 @!p1 $0x4  }
0x80: {  	[tilespmem:s24], [sflag:$0x4] =	stream.linear.gather @!p1 [hbm4b:s23+s24], $0x80, $0x38;
	[tilespmem:$0x1C200] =	vst v63  }
0x81: {  	_ =	swait.ge @!p1 [sflag:s0], $0x80  }
0x82: {  	[sflag:s0] =	ssyncset.done @!p1 $0x0  }
0x83: {  	s22 =	sadd.s32 @!p1 s22, s15;
	s23 =	simm.s32 @!p1 $0x100;
	[sflag:s0] =	ssyncadd.s32 @!p1 $0xFFFFFF80  }
0x84: {  	[tilespmem:s23], [sflag:$0x4] =	stream.linear.gather @!p1 [hbm4b:s22+s24], $0x80, $0x38;
	[tilespmem:$0x1C200] =	vst v63  }
0x85: {  	_ =	swait.ge @!p1 [sflag:s0], $0x80  }
0x86: {  	[sflag:s0] =	ssyncset.done @!p1 $0x0  }
0x87: {  	s22 =	simm.s32 @!p1 $0x2;
	[sflag:s0] =	ssyncadd.s32 @!p1 $0xFFFFFF80  }
0x88: {  	_ =	swait.ge @!p1 [sflag:s22], $0x4000  }
0x89: {  	[sflag:s22] =	ssyncset.done @!p1 $0x0  }
0x8a: {  	s23 =	simm.s32 @!p1 $0x200;
	s0 =	simm.s32 @!p1 $0x80;
	[sflag:s22] =	ssyncadd.s32 @!p1 $0xFFFFC000  }
0x8b: {  	[tilespmem:s23], [sflag:$0x1] =	stream.indirect.gather @!p1 [hbm4b:s2+s0], $0x80, s24, s0, $0xb8;
	[tilespmem:$0x1C200] =	vst v63  }
0x8c: {  	s0 =	simm.s32 @!p0 $0x3  }
0x8d: {  	[spmem:s3] =	stream.indirect.scatter.add.f32 @!p0 [tilespmem:s1], [sflag:$0x3], $0x80, s28, s25, $0xb8;
	[tilespmem:$0x1C200] =	vst v63  }
0x8e: {  	_ =	swait.ge @!p0 [sflag:s0], $0x4000  }
0x8f: {  	s21 =	sadd.s32 $0x1, s21;
	[sflag:s0] =	ssyncset.done @!p0 $0x0  }
0x90: {  	[sflag:s0] =	ssyncadd.s32 @!p0 $0xFFFFC000;
	p0 =	sne.s32 s21, s13  }
.Ltmp1:
0x91: {  	[bflag:$0x0] =	sbarrier.arrive $0xFFFF;
	(pc) =	sbr.rel @p0 .LBB2_1-.Ltmp1, $4  }
0x92: {  	[hbm:s12], [sflag:s9] =	dma.local [spmem:s16], $0x2800  }
0x93: {  	_ =	swait.ge [sflag:s17], $0x2800  }
0x94: {  	[sflag:s17] =	ssyncset.done $0x0  }
0x95: {  	[sflag:s17] =	ssyncadd.s32 $0xFFFFD800  }
0x96: {  	_ =	sfence.sel $0x180000  }
0x97: {  	[bflag:$0x0] =	sbarrier.arrive $0xFFFF  }
0x98: {  	_ =	strace $0x9000004D  }
0x99: {  	s0 =	stileid.u32;
	[bflag:$0x2] =	sbarrier.arrive $0xFFFF  }
0x9a: {  	p0 =	sne.s32 s0, $0x0;
	s0 =	rddreg [dreg:$0x3]  }
0x9b: {  	s0 =	sadd.s32 @!p0 $0x100000, s0  }
0x9c: {  	[sflag:s0] =	ssyncadd.tile.s32 @!p0 $0x1;
	_ =	shalt  }
.Lfunc_end2:
_tile_overlayer_lowered:
.L_overlay_start_2:
0x9d: {  	(tag) =	ssettag $0x2  }
0x9e: {  	s0 =	rddreg [dreg:$0x0];
	s2 =	stileid.u32  }
0x9f: {  	s1 =	rddreg [dreg:$0x1];
	p0 =	sne.s32 s2, $0x0  }
0xa0: {  	s3 =	rddreg [dreg:$0x2];
	[bflag:$0x3] =	sbarrier.arrive $0xFFFF;
	s2 =	simm.s32 @!p0 $0x1C03  }
0xa1: {  	[timem:s3], [sflag:s2] =	dma.local @!p0 [hbm:s0], s1  }
0xa2: {  	s0 =	simm.s32 @!p0 $0x3  }
0xa3: {  	_ =	swait.ge @!p0 [sflag:s0], s1  }
0xa4: {  	s1 =	ssub.s32 @!p0 $0x0, s1;
	[sflag:s0] =	ssyncset.done @!p0 $0x0  }
0xa5: {  	[sflag:s0] =	ssyncadd.s32 @!p0 s1  }
0xa6: {  	[bflag:$0x3] =	sbarrier.arrive $0xFFFF  }
0xa7: {  	_ =	shalt  }

// kernel: kernel.8.cloned.1.call-start
scs
__scs_entry_jumppad:
0x0: {  	(pc) =	sbr.rel $0x88, $3  }
0x1: {  	(tag) =	ssettag $0x0;
	lr =	simm.s32 $0x1  }
0x2: {  	[smem:$0x3F91] =	sst lr;
	_ =	strace $0xD0000000  }
0x3: {  	_ = 	snop  }
0x4: {  	_ = 	snop  }
0x5: {  	_ = 	snop  }
0x6: {  	_ = 	snop  }
0x7: {  	_ = 	snop  }
__scs_overlays_trampoline_lowered:
0x8: {  	[smem:$0x3FA0] =	sst s0  }
0x9: {  	[smem:$0x3FA1] =	sst s1  }
0xa: {  	[smem:$0x3FA2] =	sst s2  }
0xb: {  	[smem:$0x3FA3] =	sst s3  }
0xc: {  	[smem:$0x3FA4] =	sst s4  }
0xd: {  	[smem:$0x3FA5] =	sst s5  }
0xe: {  	[smem:$0x3FA6] =	sst s6  }
0xf: {  	[smem:$0x3FA7] =	sst s7  }
0x10: {  	[smem:$0x3FA8] =	sst s8  }
0x11: {  	[smem:$0x3FA9] =	sst s9;
	s0 =	simm.s32 @!p0 $0x0  }
0x12: {  	s1 =	sld [smem:$0x3F8F];
	s0 =	simm.s32 @p0 $0x1  }
0x13: {  	[smem:$0x3FAA] =	sst s0;
	s0 =	simm.s32 @!p1 $0x0  }
0x14: {  	s2 =	sld [smem:$0x3F8E];
	s0 =	simm.s32 @p1 $0x1  }
0x15: {  	[smem:$0x3FAB] =	sst s0;
	s0 =	simm.s32 @!p2 $0x0  }
0x16: {  	s3 =	sld [smem:$0x3FDB];
	s0 =	simm.s32 @p2 $0x1  }
0x17: {  	s4 =	simm.s32 $0x1BF5;
	[smem:$0x3FAD] =	sst s0  }
0x18: {  	s0 =	sld [smem:$0x3F90];
	_ =	swait.ge [sflag:s4], $0x0  }
0x19: {  	s7 =	sld [smem:$0x3F91]  }
0x1a: {  	s8 =	sadd.s32 $0xFFFFE003, lr  }
0x1b: {  	s9 =	sadd.s32 $0xFFFFFEF7, lr;
	s5 =	simm.s32 $0xFFFFFFFF;
	p2 =	slt.u32 s8, $0xFFFFF086  }
0x1c: {  	p1 =	slt.u32 s9, $0xF7A;
	s5 =	simm.s32 @!p2 $0x0  }
0x1d: {  	s5 =	simm.s32 @p1 $0x1;
	p0 =	seq.s32 s7, s2  }
0x1e: {  	s7 =	smul.u32 @!p0 $0xF7A, s2;
	p2 =	seq.s32 @!p0 s5, $0x0  }
0x1f: {  	s9 =	smul.u32 $0xF7A, s1;
	s8 =	simm.s32 @!p0 $0x1BF5;
	p2 =	por !p2, p0  }
0x20: {  	[sflag:s8] =	ssyncset.s32 @!p0 $0xFFFFF086;
	s6 =	sadd.s32 @!p0 s3, s7;
	s7 =	simm.s32 @!p0 $0x108  }
0x21: {  	s3 =	sadd.s32 s3, s9;
	s6 =	sadd.s32 @!p0 $0x88, s6;
	s7 =	simm.s32 @p2 $0x1082  }
0x22: {  	[simem:s7], [sflag:s8] =	dma.local @!p0 [hbm:s6], $0xF7A  }
0x23: {  	s9 =	sor.u32 $0xD0000000, s2;
	s6 =	simm.s32 $0x108;
	_ =	swait.ge @!p0 [sflag:s8], $0x0  }
0x24: {  	s3 =	sadd.s32 $0x88, s3;
	s6 =	simm.s32 @!p1 $0x1082;
	[sflag:s4] =	ssyncset.s32 $0xFFFFF086  }
0x25: {  	[simem:s6], [sflag:s4] =	dma.local [hbm:s3], $0xF7A  }
0x26: {  	[smem:$0x3F91] =	sst s1;
	(tag) =	ssettag s2;
	_ =	strace s9  }
0x27: {  	s1 =	sld [smem:$0x3FA1]  }
0x28: {  	s2 =	sld [smem:$0x3FA2]  }
0x29: {  	s4 =	sld [smem:$0x3FA4]  }
0x2a: {  	p0 =	seq.s32 s5, $0x0;
	s5 =	sld [smem:$0x3FA5]  }
0x2b: {  	s6 =	sld [smem:$0x3FA6]  }
0x2c: {  	s7 =	sld [smem:$0x3FA7]  }
0x2d: {  	s3 =	simm.s32 $0x108;
	s8 =	sld [smem:$0x3FA8]  }
0x2e: {  	s3 =	simm.s32 @!p0 $0x1082;
	s9 =	sld [smem:$0x3FA9]  }
0x2f: {  	lr =	sadd.s32 s0, s3;
	s0 =	sld [smem:$0x3FA0]  }
0x30: {  	s3 =	sld [smem:$0x3FA3]  }
0x31: {  	[smem:$0x3FAC] =	sst s10  }
0x32: {  	s10 =	sld [smem:$0x3FAA];
	_ =	sdelay $0x3  }
0x33: {  	p0 =	seq.s32 s10, $0x1;
	s10 =	sld [smem:$0x3FAC];
	_ =	sdelay $0x3  }
0x34: {  	[smem:$0x3FAC] =	sst s10  }
0x35: {  	s10 =	sld [smem:$0x3FAB];
	_ =	sdelay $0x3  }
0x36: {  	p1 =	seq.s32 s10, $0x1;
	s10 =	sld [smem:$0x3FAC];
	_ =	sdelay $0x3  }
0x37: {  	[smem:$0x3FAC] =	sst s10  }
0x38: {  	s10 =	sld [smem:$0x3FAD]  }
0x39: {  	_ = 	snop;
	(pc) =	sbr.ind lr, $3  }
0x3a: {  	_ = 	snop  }
0x3b: {  	_ = 	snop  }
0x3c: {  	p2 =	seq.s32 s10, $0x1;
	s10 =	sld [smem:$0x3FAC]  }
0x3d: {  	_ =	shalt  }
0x3e: {  	_ =	shalt  }
0x3f: {  	_ =	shalt  }
0x40: {  	_ =	shalt  }
0x41: {  	_ =	shalt  }
0x42: {  	_ =	shalt  }
0x43: {  	_ =	shalt  }
0x44: {  	_ =	shalt  }
0x45: {  	_ =	shalt  }
0x46: {  	_ =	shalt  }
0x47: {  	_ =	shalt  }
0x48: {  	_ =	shalt  }
0x49: {  	_ =	shalt  }
0x4a: {  	_ =	shalt  }
0x4b: {  	_ =	shalt  }
0x4c: {  	_ =	shalt  }
0x4d: {  	_ =	shalt  }
0x4e: {  	_ =	shalt  }
0x4f: {  	_ =	shalt  }
0x50: {  	_ =	shalt  }
0x51: {  	_ =	shalt  }
0x52: {  	_ =	shalt  }
0x53: {  	_ =	shalt  }
0x54: {  	_ =	shalt  }
0x55: {  	_ =	shalt  }
0x56: {  	_ =	shalt  }
0x57: {  	_ =	shalt  }
0x58: {  	_ =	shalt  }
0x59: {  	_ =	shalt  }
0x5a: {  	_ =	shalt  }
0x5b: {  	_ =	shalt  }
0x5c: {  	_ =	shalt  }
0x5d: {  	_ =	shalt  }
0x5e: {  	_ =	shalt  }
0x5f: {  	_ =	shalt  }
0x60: {  	_ =	shalt  }
0x61: {  	_ =	shalt  }
0x62: {  	_ =	shalt  }
0x63: {  	_ =	shalt  }
0x64: {  	_ =	shalt  }
0x65: {  	_ =	shalt  }
0x66: {  	_ =	shalt  }
0x67: {  	_ =	shalt  }
0x68: {  	_ =	shalt  }
0x69: {  	_ =	shalt  }
0x6a: {  	_ =	shalt  }
0x6b: {  	_ =	shalt  }
0x6c: {  	_ =	shalt  }
0x6d: {  	_ =	shalt  }
0x6e: {  	_ =	shalt  }
0x6f: {  	_ =	shalt  }
0x70: {  	_ =	shalt  }
0x71: {  	_ =	shalt  }
0x72: {  	_ =	shalt  }
0x73: {  	_ =	shalt  }
0x74: {  	_ =	shalt  }
0x75: {  	_ =	shalt  }
0x76: {  	_ =	shalt  }
0x77: {  	_ =	shalt  }
0x78: {  	_ =	shalt  }
0x79: {  	_ =	shalt  }
0x7a: {  	_ =	shalt  }
0x7b: {  	_ =	shalt  }
0x7c: {  	_ =	shalt  }
0x7d: {  	_ =	shalt  }
0x7e: {  	_ =	shalt  }
0x7f: {  	_ =	shalt  }
0x80: {  	_ =	shalt  }
0x81: {  	_ =	shalt  }
0x82: {  	_ =	shalt  }
0x83: {  	_ =	shalt  }
0x84: {  	_ =	shalt  }
0x85: {  	_ =	shalt  }
0x86: {  	_ =	shalt  }
0x87: {  	_ =	shalt  }
.Lfunc_end0:
.L_simem_size_0:
called_computation_lowered:
.L_overlay_start_0:
0x88: {  	s2 =	sld [smem:$0x3FD9]  }
0x89: {  	s3 =	sld [smem:$0x3FFE];
	_ =	sdelay $0x1  }
0x8a: {  	s1 =	srdreg.scid  }
0x8b: {  	s0 =	sand.u32 $0x1, s1  }
0x8c: {  	s16 =	sshll.u32 s0, $0xA;
	s2 =	sadd.s32 s3, s2  }
0x8d: {  	s2 =	sadd.s32 s2, s16  }
0x8e: {  	[smem:$0x3FB8] =	sst s2  }
0x8f: {  	_ = 	snop  }
0x90: {  	(tm) =	ssettm $0x1  }
0x91: {  	s17 =	sld [smem:$0x3FFB];
	_ =	sdelay $0x3  }
0x92: {  	_ =	strace s17  }
0x93: {  	s2 =	sld [smem:$0x3FFC];
	_ =	sdelay $0x3  }
0x94: {  	_ =	strace s2  }
0x95: {  	s2 =	sld [smem:$0x3FFD];
	_ =	sdelay $0x3  }
0x96: {  	_ =	strace s2  }
0x97: {  	_ =	strace $0x8FFFFFFF  }
0x98: {  	s18 =	sld [smem:$0x3FDB];
	_ =	sdelay $0x1  }
0x99: {  	s19 =	simm.s32 $_scs_section_size  }
0x9a: {  	s4 =	simm.s32 $_size__tile_overlayer_lowered;
	s5 =	simm.s32 $_tile_overlayer_lowered  }
0x9b: {  	s22 =	simm.s32 $0x1BFF;
	s21 =	sshll.u32 s5, $0x1;
	s2 =	sadd.s32 s19, s18  }
0x9c: {  	s6 =	simm.s32 $0x0;
	s20 =	sshll.u32 s4, $0x1;
	s4 =	sadd.s32 s21, s2  }
0x9d: {  	[timem:s6], [sflag:s22] =	dma.local [hbm:s4], s20  }
0x9e: {  	_ =	swait.ge [sflag:s22], s20  }
0x9f: {  	s3 =	ssub.s32 $0x0, s20;
	[sflag:s22] =	ssyncset.done $0x0  }
0xa0: {  	[sflag:s22] =	ssyncadd.s32 s3;
	_ =	sdelay $0x1  }
0xa1: {  	s23 =	simm.s32 $0x1B8B  }
0xa2: {  	_ =	swait.ge [sflag:s23], $0x1  }
0xa3: {  	[sflag:s23] =	ssyncset.done $0x0  }
0xa4: {  	s25 =	simm.s32 $0x1B8E;
	s24 =	sld [smem:$0x3FFE];
	[sflag:s23] =	ssyncadd.s32 $0xFFFFFFFF  }
0xa5: {  	s26 =	simm.s32 $execute0_lowered;
	[smem:$0x3FD2] =	sst s25  }
0xa6: {  	s4 =	sshll.u32 s26, $0x1;
	_ =	strace $0x80000046;
	[dreg:$0x1] =	wrdreg $0xFFFFFFFF  }
0xa7: {  	s28 =	simm.s32 $_size_execute0_lowered;
	s2 =	sadd.s32 s2, s4;
	[dreg:$0x0] =	wrdreg $0x0  }
0xa8: {  	s4 =	sshll.u32 s28, $0x1;
	[dreg:$0x2] =	wrdreg s2  }
0xa9: {  	[dreg:$0x3] =	wrdreg s4  }
0xaa: {  	[dreg:$0x4] =	wrdreg $0xC0  }
0xab: {  	_ =	task [dreg:s6], $0x5FFFF  }
0xac: {  	[dreg:$0x1] =	wrdreg $0xFFFFFFFF  }
0xad: {  	[dreg:$0x0] =	wrdreg $0x60  }
0xae: {  	[dreg:$0x2] =	wrdreg s24  }
0xaf: {  	[dreg:$0x3] =	wrdreg $0x68000  }
0xb0: {  	[dreg:$0x4] =	wrdreg $0x9  }
0xb1: {  	_ =	task.clear_ibuf [dreg:s6], $0x5FFFF;
	_ =	strace $0x90000046  }
0xb2: {  	s29 =	simm.s32 $0x9;
	_ =	strace $0x80000048  }
0xb3: {  	_ =	swait.ge [sflag:s29], $0x1  }
0xb4: {  	[sflag:s29] =	ssyncadd.s32 $0xFFFFFFFF  }
0xb5: {  	_ =	strace $0x90000048  }
0xb6: {  	_ =	sfence  }
0xb7: {  	s30 =	sld [smem:$0x0];
	_ =	sdelay $0x2  }
0xb8: {  	s31 =	sshll.u32 s1, $0xD;
	s1 =	sshrl.u32 s1, $0x2  }
0xb9: {  	s3 =	sand.u32 $0x4000, s31;
	s1 =	sadd.s32 s1, s30  }
0xba: {  	s0 =	sor.u32 s3, s0;
	s1 =	sshll.u32 s1, $0x11  }
0xbb: {  	s0 =	sor.u32 s1, s0  }
0xbc: {  	s0 =	sadd.s32 $0x8F2B, s0  }
0xbd: {  	[sflag:s0] =	ssyncadd.remote.s32 $0x1  }
0xbe: {  	_ =	sfence.sel $0xFFFF  }
0xbf: {  	[dreg:$0x0] =	wrdreg $0xFFFFFFFF;
	(pc) =	sbr.abs _section_cstart, $3  }
0xc0: {  	[dreg:$0x1] =	wrdreg $0xFFFFFFFF  }
0xc1: {  	_ =	task.clear_ibuf [dreg:s6], $0x2FFFF;
	_ =	strace $0x9FFFFFFF  }
0xc2: {  	(tm) =	ssettm $0x7FFFFFFF  }
0xc3: {  	_ =	shalt  }
tec
execute0_lowered:
.L_overlay_start_1:
0x0: {  	(tag) =	ssettag $0x1  }
0x1: {  	s1 =	srdreg.scid  }
0x2: {  	s0 =	stileid.u32;
	s5 =	rddreg [dreg:$0x0]  }
0x3: {  	s2 =	rddreg [dreg:$0x1];
	s3 =	simm.s32 $0x0;
	s12 =	simm.s32 $0x2800  }
0x4: {  	s4 =	sand.u32 $0x1, s1;
	s28 =	sshll.u32 s0, $0x1;
	s7 =	smul.u32 $0x14000, s0  }
0x5: {  	[smem:$0x7FF] =	sst s3;
	s29 =	smul.u32 $0x50000, s0;
	s31 =	sshll.u32 s0, $0x6  }
0x6: {  	s1 =	sor.u32 s4, s28;
	s8 =	smul.u32 $0x140000, s4;
	s4 =	ssub.s32 $0x2, s4  }
0x7: {  	s6 =	smul.u32 $0x500, s1;
	s1 =	rddreg [dreg:$0x2];
	_ =	strace $0x80000047  }
0x8: {  	s9 =	sshrl.u32 s7, $0x3;
	s30 =	sshrl.u32 s4, $0x1;
	s7 =	sadd.s32 s7, s8  }
0x9: {  	s9 =	sadd.s32 s9, s5;
	s8 =	sshrl.u32 s29, $0x2;
	s10 =	ssub.s32 s4, s30  }
0xa: {  	s6 =	sadd.s32 s6, s5;
	s7 =	sshrl.u32 s7, $0x3;
	s11 =	sadd.s32 s8, s2  }
0xb: {  	s4 =	sadd.s32 $0xD400, s9;
	s8 =	smax.u32 s10, $0x1;
	s10 =	simm.s32 $0x1  }
0xc: {  	s7 =	sadd.s32 s7, s5;
	s5 =	sor.u32 $0x1C01, s31;
	s6 =	sadd.s32 $0x3400, s6  }
0xd: {  	v0 =	vimm.f32 $1.000000000e+00;
	s9 =	sshrl.u32 s11, $0x3;
	s11 =	simm.s32 $0x80;
	s7 =	sadd.s32 $0x35400, s7  }
.LBB2_1:
0xe: {  	s13 =	simm.s32 $0x0;
	s14 =	simm.s32 $0x200  }
.LBB2_2:
0xf: {  	p0 =	sne.s32 s14, $0xFE00;
	[tilespmem:s13+$0x2870] =	vst v0  }
0x10: {  	[tilespmem:s13+$0x2800] =	vst v0  }
0x11: {  	[tilespmem:s13+$0x2810] =	vst v0  }
.Ltmp0:
0x12: {  	[tilespmem:s13+$0x2820] =	vst v0;
	(pc) =	sbr.rel @p0 .LBB2_2-.Ltmp0, $4  }
0x13: {  	[tilespmem:s13+$0x2830] =	vst v0  }
0x14: {  	[tilespmem:s13+$0x2840] =	vst v0  }
0x15: {  	[tilespmem:s13+$0x2850] =	vst v0  }
0x16: {  	[tilespmem:s13+$0x2860] =	vst v0;
	s13 =	sshra.s32 s14, $0x2;
	s14 =	sadd.s32 $0x200, s14  }
0x17: {  	[tilespmem:s13+$0x2870] =	vst v0  }
0x18: {  	[tilespmem:s13+$0x2800] =	vst v0  }
0x19: {  	[tilespmem:s13+$0x2810] =	vst v0  }
0x1a: {  	[tilespmem:s13+$0x2820] =	vst v0  }
0x1b: {  	[tilespmem:s13+$0x2830] =	vst v0  }
0x1c: {  	[tilespmem:s13+$0x2840] =	vst v0  }
0x1d: {  	[tilespmem:s13+$0x2850] =	vst v0  }
0x1e: {  	[tilespmem:s13+$0x2860] =	vst v0  }
0x1f: {  	[spmem:s9], [sflag:s5] =	dma.local [hbm:s4], $0x2800  }
0x20: {  	_ =	swait.ge [sflag:s10], $0x2800  }
0x21: {  	[sflag:s10] =	ssyncset.done $0x0  }
0x22: {  	s30 =	simm.s32 $0x0;
	[sflag:s10] =	ssyncadd.s32 $0xFFFFD800  }
0x23: {  	[tilespmem:s30], [sflag:$0x1] =	stream.linear.gather [hbm4b:s6+s30], $0x2800, $0x38;
	[tilespmem:$0x1A800] =	vst v63  }
0x24: {  	_ =	swait.ge [sflag:s10], $0x2800  }
0x25: {  	[sflag:s10] =	ssyncset.done $0x0  }
0x26: {  	[sflag:s10] =	ssyncadd.s32 $0xFFFFD800  }
0x27: {  	s31 =	simm.s32 $0x0;
	[bflag:$0x0] =	sbarrier.arrive $0xFFFF  }
0x28: {  	[spmem:s2] =	stream.indirect.scatter.add.f32 [tilespmem:s12], [sflag:$0x1], $0x80, s31, s11, $0xb8;
	[tilespmem:$0x1A800] =	vst v63  }
0x29: {  	_ =	swait.ge [sflag:s10], $0x4000  }
0x2a: {  	s13 =	simm.s32 $0x200;
	[sflag:s10] =	ssyncset.done $0x0  }
.LBB2_4:
0x2b: {  	s14 =	sshra.s32 s13, $0x2;
	[sflag:s10] =	ssyncadd.s32 $0xFFFFC000;
	p0 =	sne.s32 s13, $0x9E00  }
0x2c: {  	[spmem:s2] =	stream.indirect.scatter.add.f32 [tilespmem:s12], [sflag:$0x1], $0x80, s14, s11, $0xb8;
	[tilespmem:$0x1A800] =	vst v63  }
.Ltmp1:
0x2d: {  	_ = 	snop;
	(pc) =	sbr.rel @p0 .LBB2_4-.Ltmp1, $4  }
0x2e: {  	_ = 	snop  }
0x2f: {  	s13 =	sadd.s32 $0x200, s13  }
0x30: {  	_ =	swait.ge [sflag:s10], $0x4000  }
0x31: {  	[sflag:s10] =	ssyncset.done $0x0  }
0x32: {  	s3 =	sadd.s32 $0x1, s3  }
0x33: {  	[sflag:s10] =	ssyncadd.s32 $0xFFFFC000;
	p0 =	sne.s32 s3, s8  }
.Ltmp2:
0x34: {  	[bflag:$0x0] =	sbarrier.arrive $0xFFFF;
	(pc) =	sbr.rel @p0 .LBB2_1-.Ltmp2, $4  }
0x35: {  	[hbm:s7], [sflag:s5] =	dma.local [spmem:s9], $0x2800  }
0x36: {  	_ =	swait.ge [sflag:s10], $0x2800  }
0x37: {  	[sflag:s10] =	ssyncset.done $0x0  }
0x38: {  	[sflag:s10] =	ssyncadd.s32 $0xFFFFD800  }
0x39: {  	_ =	sfence.sel $0x180000  }
0x3a: {  	[bflag:$0x0] =	sbarrier.arrive $0xFFFF  }
0x3b: {  	p0 =	sne.s32 s0, $0x0;
	_ =	strace $0x90000047  }
0x3c: {  	s0 =	sadd.s32 @!p0 $0x100000, s1;
	[bflag:$0x2] =	sbarrier.arrive $0xFFFF  }
0x3d: {  	[sflag:s0] =	ssyncadd.tile.s32 @!p0 $0x1;
	_ =	shalt  }
.Lfunc_end2:
_tile_overlayer_lowered:
.L_overlay_start_2:
0x3e: {  	(tag) =	ssettag $0x2  }
0x3f: {  	s0 =	rddreg [dreg:$0x0];
	s2 =	stileid.u32  }
0x40: {  	s1 =	rddreg [dreg:$0x1];
	p0 =	sne.s32 s2, $0x0  }
0x41: {  	s3 =	rddreg [dreg:$0x2];
	[bflag:$0x3] =	sbarrier.arrive $0xFFFF;
	s2 =	simm.s32 @!p0 $0x1C01  }
0x42: {  	[timem:s3], [sflag:s2] =	dma.local @!p0 [hbm:s0], s1  }
0x43: {  	s0 =	simm.s32 @!p0 $0x1  }
0x44: {  	_ =	swait.ge @!p0 [sflag:s0], s1  }
0x45: {  	s1 =	ssub.s32 @!p0 $0x0, s1;
	[sflag:s0] =	ssyncset.done @!p0 $0x0  }
0x46: {  	[sflag:s0] =	ssyncadd.s32 @!p0 s1  }
0x47: {  	[bflag:$0x3] =	sbarrier.arrive $0xFFFF  }
0x48: {  	_ =	shalt  }

</sc_bundles>
